<compile_context>
chip_gen: v7x
topology: tpu7x:2x2x1
jax: 0.10.2.dev20260603
libtpu: 0.0.44.dev20260713+nightly
codegen_flags: <defaults>
</compile_context>

<pallas_src>
import functools

import jax
import jax.numpy as jnp
from jax import lax
from jax.experimental import pallas as pl
from jax.experimental.pallas import tpu as pltpu
from jax.experimental.pallas import tpu_sc as plsc

_T = 2048
_H = 1024
_E = 64
_CAP = 128
_S = _E * _CAP


def _iround(x):
    return jnp.floor(x + 0.5)


def _router_body(flat_ref, gate_ref, tbl_ref, occ_ref, inv_ref, cnt_ref):
    flat = flat_ref[...]
    gate = gate_ref[...]
    logits = lax.dot_general(flat, gate, (((1,), (1,)), ((), ())),
                             preferred_element_type=jnp.float32)
    m = jnp.max(logits, axis=1, keepdims=True)
    iota_e = lax.broadcasted_iota(jnp.int32, (_T, _E), 1).astype(jnp.float32)
    eidf = jnp.min(jnp.where(logits >= m, iota_e, float(_E)), axis=1,
                   keepdims=True)
    one_hot = (iota_e == eidf).astype(jnp.float32)

    r = lax.broadcasted_iota(jnp.int32, (_CAP, _CAP), 0)
    c = lax.broadcasted_iota(jnp.int32, (_CAP, _CAP), 1)
    ltri = (c <= r).astype(jnp.float32)
    nchunk = _T // _CAP
    r_parts, s_parts = [], []
    for k in range(nchunk):
        chunk = one_hot[k * _CAP:(k + 1) * _CAP, :]
        rk = jnp.dot(ltri, chunk, preferred_element_type=jnp.float32)
        r_parts.append(rk)
        s_parts.append(rk[_CAP - 1:_CAP, :])
    r_in = jnp.concatenate(r_parts, axis=0)
    s_tot = jnp.concatenate(s_parts, axis=0)
    kr = lax.broadcasted_iota(jnp.int32, (nchunk, nchunk), 0)
    kc = lax.broadcasted_iota(jnp.int32, (nchunk, nchunk), 1)
    stri = (kc < kr).astype(jnp.float32)
    pexc = jnp.dot(stri, s_tot, preferred_element_type=jnp.float32)
    tch = lax.broadcasted_iota(jnp.int32, (_T, nchunk), 0) // _CAP
    kk = lax.broadcasted_iota(jnp.int32, (_T, nchunk), 1)
    u = (tch == kk).astype(jnp.float32)
    r_all = r_in + jnp.dot(u, pexc, preferred_element_type=jnp.float32)
    rank = _iround(jnp.sum(r_all * one_hot, axis=1, keepdims=True) - 1.0)

    tvec = lax.broadcasted_iota(jnp.int32, (_T, 1), 0).astype(jnp.float32)
    iota_c = lax.broadcasted_iota(jnp.int32, (_T, _CAP), 1).astype(jnp.float32)
    hit = (iota_c == rank).astype(jnp.float32)
    tbl_f = lax.dot_general(one_hot * tvec, hit, (((0,), (0,)), ((), ())),
                            preferred_element_type=jnp.float32)
    occ_ec = _iround(lax.dot_general(one_hot, hit, (((0,), (0,)), ((), ())),
                                     preferred_element_type=jnp.float32))
    e_iota = lax.broadcasted_iota(jnp.int32, (_E, _CAP), 0)
    c_iota = lax.broadcasted_iota(jnp.int32, (_E, _CAP), 1)
    fill = ((e_iota * _CAP + c_iota) % _T).astype(jnp.float32)
    tbl_ref[...] = (_iround(tbl_f) * occ_ec
                    + fill * (1.0 - occ_ec)).astype(jnp.int32)

    cnt = jnp.sum(one_hot, axis=0, keepdims=True)
    cnt_ref[...] = cnt.astype(jnp.int32)

    cnt_col = lax.dot_general(one_hot, jnp.ones((_T, 1), jnp.float32),
                              (((0,), (0,)), ((), ())),
                              preferred_element_type=jnp.float32)
    s_iota = lax.broadcasted_iota(jnp.int32, (_S, 1), 0)
    es = (s_iota // _CAP).astype(jnp.float32)
    cs = (s_iota % _CAP).astype(jnp.float32)
    e_cols = lax.broadcasted_iota(jnp.int32, (_S, _E), 1).astype(jnp.float32)
    u_s = (e_cols == es).astype(jnp.float32)
    cnt_per_s = jnp.dot(u_s, cnt_col, preferred_element_type=jnp.float32)
    occ_ref[...] = (cs < cnt_per_s - 0.5).astype(jnp.float32)

    iota_e1 = lax.broadcasted_iota(jnp.int32, (1, _E), 1).astype(jnp.float32)
    cmin = jnp.min(cnt)
    estar = jnp.min(jnp.where(cnt == cmin, iota_e1, float(_E)))
    inv_f = jnp.where(rank < float(_CAP), eidf * _CAP + rank,
                      estar * _CAP + (_CAP - 1))
    inv_ref[...] = _iround(inv_f).astype(jnp.int32)


_ROUTER_KW = dict(
    out_shape=(
        jax.ShapeDtypeStruct((_E, _CAP), jnp.int32),
        jax.ShapeDtypeStruct((_S, 1), jnp.float32),
        jax.ShapeDtypeStruct((_T, 1), jnp.int32),
        jax.ShapeDtypeStruct((1, _E), jnp.int32),
    ),
)


def _mlp_body(occ_ref, xg_ref, wg_ref, wu_ref, wd_ref, y_ref):
    x = xg_ref[...]
    wg = wg_ref[0]
    wu = wu_ref[0]
    wd = wd_ref[0]
    g = lax.dot_general(x, wg, (((1,), (1,)), ((), ())),
                        preferred_element_type=jnp.float32)
    uu = lax.dot_general(x, wu, (((1,), (1,)), ((), ())),
                         preferred_element_type=jnp.float32)
    h = g * (1.0 / (1.0 + jnp.exp(-g))) * uu
    y = lax.dot_general(h, wd, (((1,), (1,)), ((), ())),
                        preferred_element_type=jnp.float32)
    y_ref[...] = jnp.where(occ_ref[...] > 0.5, y, 0.0)


def _mlp_kw(I, H):
    return dict(
        grid=(_E,),
        in_specs=[
            pl.BlockSpec((_CAP, 1), lambda e: (e, 0)),
            pl.BlockSpec((_CAP, H), lambda e: (e, 0)),
            pl.BlockSpec((1, I, H), lambda e: (e, 0, 0)),
            pl.BlockSpec((1, I, H), lambda e: (e, 0, 0)),
            pl.BlockSpec((1, H, I), lambda e: (e, 0, 0)),
        ],
        out_specs=pl.BlockSpec((_CAP, H), lambda e: (e, 0)),
        out_shape=jax.ShapeDtypeStruct((_S, H), jnp.float32),
    )


def _make_sc_gather(n_rows, n_cols, n_out):
    info = plsc.get_sparse_core_info()
    n_workers = info.num_cores * info.num_subcores
    per_w = n_out // n_workers
    chunk = min(per_w, 64)
    nchunks = per_w // chunk
    mesh = plsc.VectorSubcoreMesh(core_axis_name="c", subcore_axis_name="s")

    @functools.partial(
        pl.kernel, mesh=mesh,
        out_type=jax.ShapeDtypeStruct((n_out, n_cols), jnp.float32),
        scratch_types=[
            pltpu.VMEM((chunk,), jnp.int32),
            pltpu.VMEM((chunk, n_cols), jnp.float32),
            pltpu.SemaphoreType.DMA,
        ],
    )
    def gather(table_hbm, idx_hbm, out_hbm, idx_v, rows_v, sem):
        wid = lax.axis_index("s") * info.num_cores + lax.axis_index("c")
        base = wid * per_w
        for ci in range(nchunks):
            off = base + ci * chunk
            pltpu.sync_copy(idx_hbm.at[pl.ds(off, chunk)], idx_v)
            pltpu.async_copy(table_hbm.at[idx_v], rows_v, sem).wait()
            pltpu.sync_copy(rows_v, out_hbm.at[pl.ds(off, chunk)])

    return gather


def _make_sc_gather_dyn():
    info = plsc.get_sparse_core_info()
    n_workers = info.num_cores * info.num_subcores
    epw = _E // n_workers
    chunk = 32
    max_chunks = _CAP // chunk
    slots_w = epw * _CAP
    mesh = plsc.VectorSubcoreMesh(core_axis_name="c", subcore_axis_name="s")

    @functools.partial(
        pl.kernel, mesh=mesh,
        out_type=jax.ShapeDtypeStruct((_S, _H), jnp.float32),
        scratch_types=[
            pltpu.VMEM((slots_w,), jnp.int32),
            pltpu.VMEM((chunk, _H), jnp.float32),
            pltpu.VMEM((_E + 16,), jnp.int32),
            pltpu.SemaphoreType.DMA,
        ],
    )
    def gather(table_hbm, idx_hbm, cnt_hbm, out_hbm, idx_v, rows_v, cnt_v, sem):
        wid = lax.axis_index("s") * info.num_cores + lax.axis_index("c")
        base = wid * slots_w
        pltpu.sync_copy(idx_hbm.at[pl.ds(base, slots_w)], idx_v)
        pltpu.sync_copy(cnt_hbm, cnt_v.at[pl.ds(0, _E)])
        for j in range(epw):
            e = wid * epw + j
            cnt = cnt_v[pl.ds(e, 16)][0]
            for ci in range(max_chunks):
                @pl.when(ci * chunk < cnt)
                def _do_chunk(ci=ci, j=j, e=e):
                    loc = j * _CAP + ci * chunk
                    pltpu.async_copy(
                        table_hbm.at[idx_v.at[pl.ds(loc, chunk)]],
                        rows_v, sem).wait()
                    pltpu.sync_copy(rows_v, out_hbm.at[pl.ds(base + loc, chunk)])

    return gather


def kernel(hidden_states, gate_w, Wg, Wu, Wd):
    b, t, h = hidden_states.shape
    i_dim = Wg.shape[1]
    flat = hidden_states.reshape(t, h)
    tbl, occ, inv, cnt = pl.pallas_call(
        _router_body, **_ROUTER_KW)(flat, gate_w)
    xg = _make_sc_gather_dyn()(flat, tbl.reshape(_S), cnt.reshape(_E))
    y = pl.pallas_call(_mlp_body, **_mlp_kw(i_dim, h))(occ, xg, Wg, Wu, Wd)
    out = _make_sc_gather(_S, _H, _T)(y, inv.reshape(_T))
    return out.reshape(b, t, h)

# --- scband reference (transcript-rebuilt; emitter-appended) ---
"""Pipeline reference for scband-sparse-moe-block-50646254355314 (READ-ONLY COPY).

The authoritative reference and input builder live on the scoring server;
editing this copy changes nothing except your own understanding.
"""

import jax, jax.numpy as jnp
import numpy as np

H = 1024
I = 1024
E = 64
TOPK = 1
CAP = 128  # per-expert token capacity; mean load is 2048/64=32, so 128 is ~17 sigma headroom (exact in practice)


def setup_inputs(seed: int = 0) -> dict:
    key = jax.random.key(seed)
    k0, k1, k2, k3, k4 = jax.random.split(key, 5)
    hidden_states = jax.random.normal(k0, (1, 2048, H), dtype=jnp.float32)
    gate_w = jax.random.normal(k1, (E, H), dtype=jnp.float32) * (1.0 / np.sqrt(H))
    Wg = jax.random.normal(k2, (E, I, H), dtype=jnp.float32) * (1.0 / np.sqrt(H))
    Wu = jax.random.normal(k3, (E, I, H), dtype=jnp.float32) * (1.0 / np.sqrt(H))
    Wd = jax.random.normal(k4, (E, H, I), dtype=jnp.float32) * (1.0 / np.sqrt(I))
    return {"hidden_states": hidden_states, "gate_w": gate_w, "Wg": Wg, "Wu": Wu, "Wd": Wd}


def reference(hidden_states, gate_w, Wg, Wu, Wd):
    B, T, D = hidden_states.shape
    flat = hidden_states.reshape(-1, D)
    router_logits = flat @ gate_w.T
    router_probs = jax.nn.softmax(router_logits.astype(jnp.float32), axis=-1)
    routing_weights, selected_experts = jax.lax.top_k(router_probs, TOPK)
    routing_weights = routing_weights / jnp.sum(routing_weights, axis=-1, keepdims=True)
    routing_weights = routing_weights.astype(flat.dtype)
    out = jnp.zeros_like(flat)
    for e in range(E):
        mask = (selected_experts == e)                      # [N, TOPK]
        w_e = jnp.sum(routing_weights * mask, axis=-1)      # [N], zero for tokens not routed to e
        not_sel = jnp.logical_not(jnp.any(mask, axis=-1))   # False (0) for routed tokens -> sorted first
        idx = jnp.argsort(not_sel)[:CAP]                    # unique token indices; routed tokens first
        xg = jnp.take(flat, idx, axis=0)                    # gather [CAP, D]
        h = jax.nn.silu(xg @ Wg[e].T) * (xg @ Wu[e].T)
        oe = h @ Wd[e].T
        out = out.at[idx].add(w_e[idx][:, None] * oe)       # scatter-add; padded slots have w_e=0
    return out.reshape(B, T, D)

if __name__ == "__main__":
    import jax
    _d = setup_inputs()
    print(jax.jit(kernel)(*tuple(_d.values())))

</pallas_src>

<mosaic_0001>
#map = affine_map<(d0, d1) -> (0, 0)>
#map1 = affine_map<(d0, d1) -> (0)>
module attributes {stable_mosaic.version = 14 : i64} {
  func.func @gather(%arg0: i32, %arg1: i32, %arg2: memref<2048x1024xf32, #tpu.memory_space<hbm>>, %arg3: memref<8192xi32, #tpu.memory_space<hbm>>, %arg4: memref<64xi32, #tpu.memory_space<hbm>>, %arg5: memref<8192x1024xf32, #tpu.memory_space<hbm>>, %arg6: memref<256xi32, #tpu.memory_space<vmem>>, %arg7: memref<32x1024xf32, #tpu.memory_space<vmem>>, %arg8: memref<80xi32, #tpu.memory_space<vmem>>, %arg9: memref<!tpu.dma_semaphore, #tpu.memory_space<semaphore_mem>>) attributes {dimension_semantics = [#tpu.dimension_semantics<core_parallel>, #tpu.dimension_semantics<subcore_parallel>], iteration_bounds = array<i64: 2, 16>, scalar_prefetch = 0 : i64, scratch_operands = 4 : i64, tpu.core_type = #tpu.core_type<sc_vector_subcore>, window_params = [{transform_indices = #map}, {transform_indices = #map1}, {transform_indices = #map1}, {transform_indices = #map}]} {
    %mul3A = arith.constant 2 : i32
    %mul3A_0 = arith.muli %arg1, %mul3A : i32
    %add3A = arith.addi %mul3A_0, %arg0 : i32
    %mul3A_1 = arith.constant 256 : i32
    %mul3A_2 = arith.muli %add3A, %mul3A_1 : i32
    "tpu.region"() ({
      %run_scoped3A = tpu.sem_alloc : memref<!tpu.dma_semaphore, #tpu.memory_space<semaphore_mem>>
      %dma_start3A = tpu.memref_slice %arg3[%mul3A_2] : memref<8192xi32, #tpu.memory_space<hbm>> -> memref<256xi32, #tpu.memory_space<hbm>>
      %dma_start3A_55 = tpu.memref_slice %arg3[%mul3A_2] : memref<8192xi32, #tpu.memory_space<hbm>> -> memref<256xi32, #tpu.memory_space<hbm>>
      tpu.enqueue_dma source(%dma_start3A_55 : memref<256xi32, #tpu.memory_space<hbm>>) target(%arg6 : memref<256xi32, #tpu.memory_space<vmem>>) target_semaphore(%run_scoped3A : memref<!tpu.dma_semaphore, #tpu.memory_space<semaphore_mem>>)
      %dma_wait3A = tpu.memref_slice %arg3[%mul3A_2] : memref<8192xi32, #tpu.memory_space<hbm>> -> memref<256xi32, #tpu.memory_space<hbm>>
      %dma_wait3A_56 = tpu.memref_slice %arg3[%mul3A_2] : memref<8192xi32, #tpu.memory_space<hbm>> -> memref<256xi32, #tpu.memory_space<hbm>>
      tpu.wait_dma2 semaphore(%run_scoped3A : memref<!tpu.dma_semaphore, #tpu.memory_space<semaphore_mem>>) src(%dma_wait3A_56 : memref<256xi32, #tpu.memory_space<hbm>>) dst(%arg6 : memref<256xi32, #tpu.memory_space<vmem>>)
      tpu.yield
    }) : () -> ()
    "tpu.region"() ({
      %run_scoped3A = tpu.sem_alloc : memref<!tpu.dma_semaphore, #tpu.memory_space<semaphore_mem>>
      %dma_start3A = arith.constant 0 : i32
      %dma_start3A_55 = tpu.memref_slice %arg8[%dma_start3A] : memref<80xi32, #tpu.memory_space<vmem>> -> memref<64xi32, #tpu.memory_space<vmem>>
      %dma_start3A_56 = arith.constant 0 : i32
      %dma_start3A_57 = tpu.memref_slice %arg8[%dma_start3A_56] : memref<80xi32, #tpu.memory_space<vmem>> -> memref<64xi32, #tpu.memory_space<vmem>>
      tpu.enqueue_dma source(%arg4 : memref<64xi32, #tpu.memory_space<hbm>>) target(%dma_start3A_57 : memref<64xi32, #tpu.memory_space<vmem>>) target_semaphore(%run_scoped3A : memref<!tpu.dma_semaphore, #tpu.memory_space<semaphore_mem>>)
      %dma_wait3A = arith.constant 0 : i32
      %dma_wait3A_58 = tpu.memref_slice %arg8[%dma_wait3A] : memref<80xi32, #tpu.memory_space<vmem>> -> memref<64xi32, #tpu.memory_space<vmem>>
      %dma_wait3A_59 = arith.constant 0 : i32
      %dma_wait3A_60 = tpu.memref_slice %arg8[%dma_wait3A_59] : memref<80xi32, #tpu.memory_space<vmem>> -> memref<64xi32, #tpu.memory_space<vmem>>
      tpu.wait_dma2 semaphore(%run_scoped3A : memref<!tpu.dma_semaphore, #tpu.memory_space<semaphore_mem>>) src(%arg4 : memref<64xi32, #tpu.memory_space<hbm>>) dst(%dma_wait3A_60 : memref<64xi32, #tpu.memory_space<vmem>>)
      tpu.yield
    }) : () -> ()
    %mul3A_3 = arith.constant 2 : i32
    %mul3A_4 = arith.muli %add3A, %mul3A_3 : i32
    %add3A_5 = arith.constant 0 : i32
    %add3A_6 = arith.addi %mul3A_4, %add3A_5 : i32
    %get3A = arith.index_cast %add3A_6 : i32 to index
    %get3A_7 = tpu.vector_load %arg8[%get3A] {strides = array<i32>} : memref<80xi32, #tpu.memory_space<vmem>>, vector<16xi32>,
    %get3A_8 = vector.shape_cast %get3A_7 : vector<16xi32> to vector<16xi32>
    %slice3A = vector.extract_strided_slice %get3A_8 {offsets = [0], sizes = [1], strides = [1]} : vector<16xi32> to vector<1xi32>
    %squeeze3A = vector.extract %slice3A[0] : i32 from vector<1xi32>
    %gt3A = arith.constant 0 : i32
    %gt3A_9 = arith.cmpi sgt, %squeeze3A, %gt3A : i32
    %convert_element_type3A = arith.extui %gt3A_9 : i1 to i32
    %cond3A = arith.constant 0 : i32
    %cond3A_10 = arith.cmpi ne, %convert_element_type3A, %cond3A : i32
    scf.if %cond3A_10 {
      %dma_start3A = arith.constant 0 : i32
      %dma_start3A_55 = tpu.memref_slice %arg6[%dma_start3A] : memref<256xi32, #tpu.memory_space<vmem>> -> memref<32xi32, #tpu.memory_space<vmem>>
      %dma_start3A_56 = arith.constant 0 : i32
      %dma_start3A_57 = arith.constant 0 : i32
      %dma_start3A_58 = tpu.memref_slice %arg2[%dma_start3A_56, %dma_start3A_57] : memref<2048x1024xf32, #tpu.memory_space<hbm>> -> memref<2048x1024xf32, #tpu.memory_space<hbm>>
      tpu.enqueue_indirect_dma source(%dma_start3A_58 : memref<2048x1024xf32, #tpu.memory_space<hbm>>) target(%arg7 : memref<32x1024xf32, #tpu.memory_space<vmem>>) offsets(%dma_start3A_55 : memref<32xi32, #tpu.memory_space<vmem>>) semaphore(%arg9 : memref<!tpu.dma_semaphore, #tpu.memory_space<semaphore_mem>>)
      %dma_wait3A = arith.constant 0 : i32
      %dma_wait3A_59 = tpu.memref_slice %arg6[%dma_wait3A] : memref<256xi32, #tpu.memory_space<vmem>> -> memref<32xi32, #tpu.memory_space<vmem>>
      %dma_wait3A_60 = arith.constant 0 : i32
      %dma_wait3A_61 = arith.constant 0 : i32
      %dma_wait3A_62 = tpu.memref_slice %arg2[%dma_wait3A_60, %dma_wait3A_61] : memref<2048x1024xf32, #tpu.memory_space<hbm>> -> memref<2048x1024xf32, #tpu.memory_space<hbm>>
      tpu.wait_indirect_dma semaphore(%arg9 : memref<!tpu.dma_semaphore, #tpu.memory_space<semaphore_mem>>) src(%dma_wait3A_62 : memref<2048x1024xf32, #tpu.memory_space<hbm>>) dst(%arg7 : memref<32x1024xf32, #tpu.memory_space<vmem>>)
      %add3A_63 = arith.constant 0 : i32
      %add3A_64 = arith.addi %mul3A_2, %add3A_63 : i32
      "tpu.region"() ({
        %run_scoped3A = tpu.sem_alloc : memref<!tpu.dma_semaphore, #tpu.memory_space<semaphore_mem>>
        %dma_start3A_65 = arith.constant 0 : i32
        %dma_start3A_66 = tpu.memref_slice %arg5[%add3A_64, %dma_start3A_65] : memref<8192x1024xf32, #tpu.memory_space<hbm>> -> memref<32x1024xf32, #tpu.memory_space<hbm>>
        %dma_start3A_67 = arith.constant 0 : i32
        %dma_start3A_68 = tpu.memref_slice %arg5[%add3A_64, %dma_start3A_67] : memref<8192x1024xf32, #tpu.memory_space<hbm>> -> memref<32x1024xf32, #tpu.memory_space<hbm>>
        tpu.enqueue_dma source(%arg7 : memref<32x1024xf32, #tpu.memory_space<vmem>>) target(%dma_start3A_68 : memref<32x1024xf32, #tpu.memory_space<hbm>>) target_semaphore(%run_scoped3A : memref<!tpu.dma_semaphore, #tpu.memory_space<semaphore_mem>>)
        %dma_wait3A_69 = arith.constant 0 : i32
        %dma_wait3A_70 = tpu.memref_slice %arg5[%add3A_64, %dma_wait3A_69] : memref<8192x1024xf32, #tpu.memory_space<hbm>> -> memref<32x1024xf32, #tpu.memory_space<hbm>>
        %dma_wait3A_71 = arith.constant 0 : i32
        %dma_wait3A_72 = tpu.memref_slice %arg5[%add3A_64, %dma_wait3A_71] : memref<8192x1024xf32, #tpu.memory_space<hbm>> -> memref<32x1024xf32, #tpu.memory_space<hbm>>
        tpu.wait_dma2 semaphore(%run_scoped3A : memref<!tpu.dma_semaphore, #tpu.memory_space<semaphore_mem>>) src(%arg7 : memref<32x1024xf32, #tpu.memory_space<vmem>>) dst(%dma_wait3A_72 : memref<32x1024xf32, #tpu.memory_space<hbm>>)
        tpu.yield
      }) : () -> ()
    } else {
    }
    %gt3A_11 = arith.constant 32 : i32
    %gt3A_12 = arith.cmpi sgt, %squeeze3A, %gt3A_11 : i32
    %convert_element_type3A_13 = arith.extui %gt3A_12 : i1 to i32
    %cond3A_14 = arith.constant 0 : i32
    %cond3A_15 = arith.cmpi ne, %convert_element_type3A_13, %cond3A_14 : i32
    scf.if %cond3A_15 {
      %dma_start3A = arith.constant 32 : i32
      %dma_start3A_55 = tpu.memref_slice %arg6[%dma_start3A] : memref<256xi32, #tpu.memory_space<vmem>> -> memref<32xi32, #tpu.memory_space<vmem>>
      %dma_start3A_56 = arith.constant 0 : i32
      %dma_start3A_57 = arith.constant 0 : i32
      %dma_start3A_58 = tpu.memref_slice %arg2[%dma_start3A_56, %dma_start3A_57] : memref<2048x1024xf32, #tpu.memory_space<hbm>> -> memref<2048x1024xf32, #tpu.memory_space<hbm>>
      tpu.enqueue_indirect_dma source(%dma_start3A_58 : memref<2048x1024xf32, #tpu.memory_space<hbm>>) target(%arg7 : memref<32x1024xf32, #tpu.memory_space<vmem>>) offsets(%dma_start3A_55 : memref<32xi32, #tpu.memory_space<vmem>>) semaphore(%arg9 : memref<!tpu.dma_semaphore, #tpu.memory_space<semaphore_mem>>)
      %dma_wait3A = arith.constant 32 : i32
      %dma_wait3A_59 = tpu.memref_slice %arg6[%dma_wait3A] : memref<256xi32, #tpu.memory_space<vmem>> -> memref<32xi32, #tpu.memory_space<vmem>>
      %dma_wait3A_60 = arith.constant 0 : i32
      %dma_wait3A_61 = arith.constant 0 : i32
      %dma_wait3A_62 = tpu.memref_slice %arg2[%dma_wait3A_60, %dma_wait3A_61] : memref<2048x1024xf32, #tpu.memory_space<hbm>> -> memref<2048x1024xf32, #tpu.memory_space<hbm>>
      tpu.wait_indirect_dma semaphore(%arg9 : memref<!tpu.dma_semaphore, #tpu.memory_space<semaphore_mem>>) src(%dma_wait3A_62 : memref<2048x1024xf32, #tpu.memory_space<hbm>>) dst(%arg7 : memref<32x1024xf32, #tpu.memory_space<vmem>>)
      %add3A_63 = arith.constant 32 : i32
      %add3A_64 = arith.addi %mul3A_2, %add3A_63 : i32
      "tpu.region"() ({
        %run_scoped3A = tpu.sem_alloc : memref<!tpu.dma_semaphore, #tpu.memory_space<semaphore_mem>>
        %dma_start3A_65 = arith.constant 0 : i32
        %dma_start3A_66 = tpu.memref_slice %arg5[%add3A_64, %dma_start3A_65] : memref<8192x1024xf32, #tpu.memory_space<hbm>> -> memref<32x1024xf32, #tpu.memory_space<hbm>>
        %dma_start3A_67 = arith.constant 0 : i32
        %dma_start3A_68 = tpu.memref_slice %arg5[%add3A_64, %dma_start3A_67] : memref<8192x1024xf32, #tpu.memory_space<hbm>> -> memref<32x1024xf32, #tpu.memory_space<hbm>>
        tpu.enqueue_dma source(%arg7 : memref<32x1024xf32, #tpu.memory_space<vmem>>) target(%dma_start3A_68 : memref<32x1024xf32, #tpu.memory_space<hbm>>) target_semaphore(%run_scoped3A : memref<!tpu.dma_semaphore, #tpu.memory_space<semaphore_mem>>)
        %dma_wait3A_69 = arith.constant 0 : i32
        %dma_wait3A_70 = tpu.memref_slice %arg5[%add3A_64, %dma_wait3A_69] : memref<8192x1024xf32, #tpu.memory_space<hbm>> -> memref<32x1024xf32, #tpu.memory_space<hbm>>
        %dma_wait3A_71 = arith.constant 0 : i32
        %dma_wait3A_72 = tpu.memref_slice %arg5[%add3A_64, %dma_wait3A_71] : memref<8192x1024xf32, #tpu.memory_space<hbm>> -> memref<32x1024xf32, #tpu.memory_space<hbm>>
        tpu.wait_dma2 semaphore(%run_scoped3A : memref<!tpu.dma_semaphore, #tpu.memory_space<semaphore_mem>>) src(%arg7 : memref<32x1024xf32, #tpu.memory_space<vmem>>) dst(%dma_wait3A_72 : memref<32x1024xf32, #tpu.memory_space<hbm>>)
        tpu.yield
      }) : () -> ()
    } else {
    }
    %gt3A_16 = arith.constant 64 : i32
    %gt3A_17 = arith.cmpi sgt, %squeeze3A, %gt3A_16 : i32
    %convert_element_type3A_18 = arith.extui %gt3A_17 : i1 to i32
    %cond3A_19 = arith.constant 0 : i32
    %cond3A_20 = arith.cmpi ne, %convert_element_type3A_18, %cond3A_19 : i32
    scf.if %cond3A_20 {
      %dma_start3A = arith.constant 64 : i32
      %dma_start3A_55 = tpu.memref_slice %arg6[%dma_start3A] : memref<256xi32, #tpu.memory_space<vmem>> -> memref<32xi32, #tpu.memory_space<vmem>>
      %dma_start3A_56 = arith.constant 0 : i32
      %dma_start3A_57 = arith.constant 0 : i32
      %dma_start3A_58 = tpu.memref_slice %arg2[%dma_start3A_56, %dma_start3A_57] : memref<2048x1024xf32, #tpu.memory_space<hbm>> -> memref<2048x1024xf32, #tpu.memory_space<hbm>>
      tpu.enqueue_indirect_dma source(%dma_start3A_58 : memref<2048x1024xf32, #tpu.memory_space<hbm>>) target(%arg7 : memref<32x1024xf32, #tpu.memory_space<vmem>>) offsets(%dma_start3A_55 : memref<32xi32, #tpu.memory_space<vmem>>) semaphore(%arg9 : memref<!tpu.dma_semaphore, #tpu.memory_space<semaphore_mem>>)
      %dma_wait3A = arith.constant 64 : i32
      %dma_wait3A_59 = tpu.memref_slice %arg6[%dma_wait3A] : memref<256xi32, #tpu.memory_space<vmem>> -> memref<32xi32, #tpu.memory_space<vmem>>
      %dma_wait3A_60 = arith.constant 0 : i32
      %dma_wait3A_61 = arith.constant 0 : i32
      %dma_wait3A_62 = tpu.memref_slice %arg2[%dma_wait3A_60, %dma_wait3A_61] : memref<2048x1024xf32, #tpu.memory_space<hbm>> -> memref<2048x1024xf32, #tpu.memory_space<hbm>>
      tpu.wait_indirect_dma semaphore(%arg9 : memref<!tpu.dma_semaphore, #tpu.memory_space<semaphore_mem>>) src(%dma_wait3A_62 : memref<2048x1024xf32, #tpu.memory_space<hbm>>) dst(%arg7 : memref<32x1024xf32, #tpu.memory_space<vmem>>)
      %add3A_63 = arith.constant 64 : i32
      %add3A_64 = arith.addi %mul3A_2, %add3A_63 : i32
      "tpu.region"() ({
        %run_scoped3A = tpu.sem_alloc : memref<!tpu.dma_semaphore, #tpu.memory_space<semaphore_mem>>
        %dma_start3A_65 = arith.constant 0 : i32
        %dma_start3A_66 = tpu.memref_slice %arg5[%add3A_64, %dma_start3A_65] : memref<8192x1024xf32, #tpu.memory_space<hbm>> -> memref<32x1024xf32, #tpu.memory_space<hbm>>
        %dma_start3A_67 = arith.constant 0 : i32
        %dma_start3A_68 = tpu.memref_slice %arg5[%add3A_64, %dma_start3A_67] : memref<8192x1024xf32, #tpu.memory_space<hbm>> -> memref<32x1024xf32, #tpu.memory_space<hbm>>
        tpu.enqueue_dma source(%arg7 : memref<32x1024xf32, #tpu.memory_space<vmem>>) target(%dma_start3A_68 : memref<32x1024xf32, #tpu.memory_space<hbm>>) target_semaphore(%run_scoped3A : memref<!tpu.dma_semaphore, #tpu.memory_space<semaphore_mem>>)
        %dma_wait3A_69 = arith.constant 0 : i32
        %dma_wait3A_70 = tpu.memref_slice %arg5[%add3A_64, %dma_wait3A_69] : memref<8192x1024xf32, #tpu.memory_space<hbm>> -> memref<32x1024xf32, #tpu.memory_space<hbm>>
        %dma_wait3A_71 = arith.constant 0 : i32
        %dma_wait3A_72 = tpu.memref_slice %arg5[%add3A_64, %dma_wait3A_71] : memref<8192x1024xf32, #tpu.memory_space<hbm>> -> memref<32x1024xf32, #tpu.memory_space<hbm>>
        tpu.wait_dma2 semaphore(%run_scoped3A : memref<!tpu.dma_semaphore, #tpu.memory_space<semaphore_mem>>) src(%arg7 : memref<32x1024xf32, #tpu.memory_space<vmem>>) dst(%dma_wait3A_72 : memref<32x1024xf32, #tpu.memory_space<hbm>>)
        tpu.yield
      }) : () -> ()
    } else {
    }
    %gt3A_21 = arith.constant 96 : i32
    %gt3A_22 = arith.cmpi sgt, %squeeze3A, %gt3A_21 : i32
    %convert_element_type3A_23 = arith.extui %gt3A_22 : i1 to i32
    %cond3A_24 = arith.constant 0 : i32
    %cond3A_25 = arith.cmpi ne, %convert_element_type3A_23, %cond3A_24 : i32
    scf.if %cond3A_25 {
      %dma_start3A = arith.constant 96 : i32
      %dma_start3A_55 = tpu.memref_slice %arg6[%dma_start3A] : memref<256xi32, #tpu.memory_space<vmem>> -> memref<32xi32, #tpu.memory_space<vmem>>
      %dma_start3A_56 = arith.constant 0 : i32
      %dma_start3A_57 = arith.constant 0 : i32
      %dma_start3A_58 = tpu.memref_slice %arg2[%dma_start3A_56, %dma_start3A_57] : memref<2048x1024xf32, #tpu.memory_space<hbm>> -> memref<2048x1024xf32, #tpu.memory_space<hbm>>
      tpu.enqueue_indirect_dma source(%dma_start3A_58 : memref<2048x1024xf32, #tpu.memory_space<hbm>>) target(%arg7 : memref<32x1024xf32, #tpu.memory_space<vmem>>) offsets(%dma_start3A_55 : memref<32xi32, #tpu.memory_space<vmem>>) semaphore(%arg9 : memref<!tpu.dma_semaphore, #tpu.memory_space<semaphore_mem>>)
      %dma_wait3A = arith.constant 96 : i32
      %dma_wait3A_59 = tpu.memref_slice %arg6[%dma_wait3A] : memref<256xi32, #tpu.memory_space<vmem>> -> memref<32xi32, #tpu.memory_space<vmem>>
      %dma_wait3A_60 = arith.constant 0 : i32
      %dma_wait3A_61 = arith.constant 0 : i32
      %dma_wait3A_62 = tpu.memref_slice %arg2[%dma_wait3A_60, %dma_wait3A_61] : memref<2048x1024xf32, #tpu.memory_space<hbm>> -> memref<2048x1024xf32, #tpu.memory_space<hbm>>
      tpu.wait_indirect_dma semaphore(%arg9 : memref<!tpu.dma_semaphore, #tpu.memory_space<semaphore_mem>>) src(%dma_wait3A_62 : memref<2048x1024xf32, #tpu.memory_space<hbm>>) dst(%arg7 : memref<32x1024xf32, #tpu.memory_space<vmem>>)
      %add3A_63 = arith.constant 96 : i32
      %add3A_64 = arith.addi %mul3A_2, %add3A_63 : i32
      "tpu.region"() ({
        %run_scoped3A = tpu.sem_alloc : memref<!tpu.dma_semaphore, #tpu.memory_space<semaphore_mem>>
        %dma_start3A_65 = arith.constant 0 : i32
        %dma_start3A_66 = tpu.memref_slice %arg5[%add3A_64, %dma_start3A_65] : memref<8192x1024xf32, #tpu.memory_space<hbm>> -> memref<32x1024xf32, #tpu.memory_space<hbm>>
        %dma_start3A_67 = arith.constant 0 : i32
        %dma_start3A_68 = tpu.memref_slice %arg5[%add3A_64, %dma_start3A_67] : memref<8192x1024xf32, #tpu.memory_space<hbm>> -> memref<32x1024xf32, #tpu.memory_space<hbm>>
        tpu.enqueue_dma source(%arg7 : memref<32x1024xf32, #tpu.memory_space<vmem>>) target(%dma_start3A_68 : memref<32x1024xf32, #tpu.memory_space<hbm>>) target_semaphore(%run_scoped3A : memref<!tpu.dma_semaphore, #tpu.memory_space<semaphore_mem>>)
        %dma_wait3A_69 = arith.constant 0 : i32
        %dma_wait3A_70 = tpu.memref_slice %arg5[%add3A_64, %dma_wait3A_69] : memref<8192x1024xf32, #tpu.memory_space<hbm>> -> memref<32x1024xf32, #tpu.memory_space<hbm>>
        %dma_wait3A_71 = arith.constant 0 : i32
        %dma_wait3A_72 = tpu.memref_slice %arg5[%add3A_64, %dma_wait3A_71] : memref<8192x1024xf32, #tpu.memory_space<hbm>> -> memref<32x1024xf32, #tpu.memory_space<hbm>>
        tpu.wait_dma2 semaphore(%run_scoped3A : memref<!tpu.dma_semaphore, #tpu.memory_space<semaphore_mem>>) src(%arg7 : memref<32x1024xf32, #tpu.memory_space<vmem>>) dst(%dma_wait3A_72 : memref<32x1024xf32, #tpu.memory_space<hbm>>)
        tpu.yield
      }) : () -> ()
    } else {
    }
    %mul3A_26 = arith.constant 2 : i32
    %mul3A_27 = arith.muli %add3A, %mul3A_26 : i32
    %add3A_28 = arith.constant 1 : i32
    %add3A_29 = arith.addi %mul3A_27, %add3A_28 : i32
    %get3A_30 = arith.index_cast %add3A_29 : i32 to index
    %get3A_31 = tpu.vector_load %arg8[%get3A_30] {strides = array<i32>} : memref<80xi32, #tpu.memory_space<vmem>>, vector<16xi32>,
    %get3A_32 = vector.shape_cast %get3A_31 : vector<16xi32> to vector<16xi32>
    %slice3A_33 = vector.extract_strided_slice %get3A_32 {offsets = [0], sizes = [1], strides = [1]} : vector<16xi32> to vector<1xi32>
    %squeeze3A_34 = vector.extract %slice3A_33[0] : i32 from vector<1xi32>
    %gt3A_35 = arith.constant 0 : i32
    %gt3A_36 = arith.cmpi sgt, %squeeze3A_34, %gt3A_35 : i32
    %convert_element_type3A_37 = arith.extui %gt3A_36 : i1 to i32
    %cond3A_38 = arith.constant 0 : i32
    %cond3A_39 = arith.cmpi ne, %convert_element_type3A_37, %cond3A_38 : i32
    scf.if %cond3A_39 {
      %dma_start3A = arith.constant 128 : i32
      %dma_start3A_55 = tpu.memref_slice %arg6[%dma_start3A] : memref<256xi32, #tpu.memory_space<vmem>> -> memref<32xi32, #tpu.memory_space<vmem>>
      %dma_start3A_56 = arith.constant 0 : i32
      %dma_start3A_57 = arith.constant 0 : i32
      %dma_start3A_58 = tpu.memref_slice %arg2[%dma_start3A_56, %dma_start3A_57] : memref<2048x1024xf32, #tpu.memory_space<hbm>> -> memref<2048x1024xf32, #tpu.memory_space<hbm>>
      tpu.enqueue_indirect_dma source(%dma_start3A_58 : memref<2048x1024xf32, #tpu.memory_space<hbm>>) target(%arg7 : memref<32x1024xf32, #tpu.memory_space<vmem>>) offsets(%dma_start3A_55 : memref<32xi32, #tpu.memory_space<vmem>>) semaphore(%arg9 : memref<!tpu.dma_semaphore, #tpu.memory_space<semaphore_mem>>)
      %dma_wait3A = arith.constant 128 : i32
      %dma_wait3A_59 = tpu.memref_slice %arg6[%dma_wait3A] : memref<256xi32, #tpu.memory_space<vmem>> -> memref<32xi32, #tpu.memory_space<vmem>>
      %dma_wait3A_60 = arith.constant 0 : i32
      %dma_wait3A_61 = arith.constant 0 : i32
      %dma_wait3A_62 = tpu.memref_slice %arg2[%dma_wait3A_60, %dma_wait3A_61] : memref<2048x1024xf32, #tpu.memory_space<hbm>> -> memref<2048x1024xf32, #tpu.memory_space<hbm>>
      tpu.wait_indirect_dma semaphore(%arg9 : memref<!tpu.dma_semaphore, #tpu.memory_space<semaphore_mem>>) src(%dma_wait3A_62 : memref<2048x1024xf32, #tpu.memory_space<hbm>>) dst(%arg7 : memref<32x1024xf32, #tpu.memory_space<vmem>>)
      %add3A_63 = arith.constant 128 : i32
      %add3A_64 = arith.addi %mul3A_2, %add3A_63 : i32
      "tpu.region"() ({
        %run_scoped3A = tpu.sem_alloc : memref<!tpu.dma_semaphore, #tpu.memory_space<semaphore_mem>>
        %dma_start3A_65 = arith.constant 0 : i32
        %dma_start3A_66 = tpu.memref_slice %arg5[%add3A_64, %dma_start3A_65] : memref<8192x1024xf32, #tpu.memory_space<hbm>> -> memref<32x1024xf32, #tpu.memory_space<hbm>>
        %dma_start3A_67 = arith.constant 0 : i32
        %dma_start3A_68 = tpu.memref_slice %arg5[%add3A_64, %dma_start3A_67] : memref<8192x1024xf32, #tpu.memory_space<hbm>> -> memref<32x1024xf32, #tpu.memory_space<hbm>>
        tpu.enqueue_dma source(%arg7 : memref<32x1024xf32, #tpu.memory_space<vmem>>) target(%dma_start3A_68 : memref<32x1024xf32, #tpu.memory_space<hbm>>) target_semaphore(%run_scoped3A : memref<!tpu.dma_semaphore, #tpu.memory_space<semaphore_mem>>)
        %dma_wait3A_69 = arith.constant 0 : i32
        %dma_wait3A_70 = tpu.memref_slice %arg5[%add3A_64, %dma_wait3A_69] : memref<8192x1024xf32, #tpu.memory_space<hbm>> -> memref<32x1024xf32, #tpu.memory_space<hbm>>
        %dma_wait3A_71 = arith.constant 0 : i32
        %dma_wait3A_72 = tpu.memref_slice %arg5[%add3A_64, %dma_wait3A_71] : memref<8192x1024xf32, #tpu.memory_space<hbm>> -> memref<32x1024xf32, #tpu.memory_space<hbm>>
        tpu.wait_dma2 semaphore(%run_scoped3A : memref<!tpu.dma_semaphore, #tpu.memory_space<semaphore_mem>>) src(%arg7 : memref<32x1024xf32, #tpu.memory_space<vmem>>) dst(%dma_wait3A_72 : memref<32x1024xf32, #tpu.memory_space<hbm>>)
        tpu.yield
      }) : () -> ()
    } else {
    }
    %gt3A_40 = arith.constant 32 : i32
    %gt3A_41 = arith.cmpi sgt, %squeeze3A_34, %gt3A_40 : i32
    %convert_element_type3A_42 = arith.extui %gt3A_41 : i1 to i32
    %cond3A_43 = arith.constant 0 : i32
    %cond3A_44 = arith.cmpi ne, %convert_element_type3A_42, %cond3A_43 : i32
    scf.if %cond3A_44 {
      %dma_start3A = arith.constant 160 : i32
      %dma_start3A_55 = tpu.memref_slice %arg6[%dma_start3A] : memref<256xi32, #tpu.memory_space<vmem>> -> memref<32xi32, #tpu.memory_space<vmem>>
      %dma_start3A_56 = arith.constant 0 : i32
      %dma_start3A_57 = arith.constant 0 : i32
      %dma_start3A_58 = tpu.memref_slice %arg2[%dma_start3A_56, %dma_start3A_57] : memref<2048x1024xf32, #tpu.memory_space<hbm>> -> memref<2048x1024xf32, #tpu.memory_space<hbm>>
      tpu.enqueue_indirect_dma source(%dma_start3A_58 : memref<2048x1024xf32, #tpu.memory_space<hbm>>) target(%arg7 : memref<32x1024xf32, #tpu.memory_space<vmem>>) offsets(%dma_start3A_55 : memref<32xi32, #tpu.memory_space<vmem>>) semaphore(%arg9 : memref<!tpu.dma_semaphore, #tpu.memory_space<semaphore_mem>>)
      %dma_wait3A = arith.constant 160 : i32
      %dma_wait3A_59 = tpu.memref_slice %arg6[%dma_wait3A] : memref<256xi32, #tpu.memory_space<vmem>> -> memref<32xi32, #tpu.memory_space<vmem>>
      %dma_wait3A_60 = arith.constant 0 : i32
      %dma_wait3A_61 = arith.constant 0 : i32
      %dma_wait3A_62 = tpu.memref_slice %arg2[%dma_wait3A_60, %dma_wait3A_61] : memref<2048x1024xf32, #tpu.memory_space<hbm>> -> memref<2048x1024xf32, #tpu.memory_space<hbm>>
      tpu.wait_indirect_dma semaphore(%arg9 : memref<!tpu.dma_semaphore, #tpu.memory_space<semaphore_mem>>) src(%dma_wait3A_62 : memref<2048x1024xf32, #tpu.memory_space<hbm>>) dst(%arg7 : memref<32x1024xf32, #tpu.memory_space<vmem>>)
      %add3A_63 = arith.constant 160 : i32
      %add3A_64 = arith.addi %mul3A_2, %add3A_63 : i32
      "tpu.region"() ({
        %run_scoped3A = tpu.sem_alloc : memref<!tpu.dma_semaphore, #tpu.memory_space<semaphore_mem>>
        %dma_start3A_65 = arith.constant 0 : i32
        %dma_start3A_66 = tpu.memref_slice %arg5[%add3A_64, %dma_start3A_65] : memref<8192x1024xf32, #tpu.memory_space<hbm>> -> memref<32x1024xf32, #tpu.memory_space<hbm>>
        %dma_start3A_67 = arith.constant 0 : i32
        %dma_start3A_68 = tpu.memref_slice %arg5[%add3A_64, %dma_start3A_67] : memref<8192x1024xf32, #tpu.memory_space<hbm>> -> memref<32x1024xf32, #tpu.memory_space<hbm>>
        tpu.enqueue_dma source(%arg7 : memref<32x1024xf32, #tpu.memory_space<vmem>>) target(%dma_start3A_68 : memref<32x1024xf32, #tpu.memory_space<hbm>>) target_semaphore(%run_scoped3A : memref<!tpu.dma_semaphore, #tpu.memory_space<semaphore_mem>>)
        %dma_wait3A_69 = arith.constant 0 : i32
        %dma_wait3A_70 = tpu.memref_slice %arg5[%add3A_64, %dma_wait3A_69] : memref<8192x1024xf32, #tpu.memory_space<hbm>> -> memref<32x1024xf32, #tpu.memory_space<hbm>>
        %dma_wait3A_71 = arith.constant 0 : i32
        %dma_wait3A_72 = tpu.memref_slice %arg5[%add3A_64, %dma_wait3A_71] : memref<8192x1024xf32, #tpu.memory_space<hbm>> -> memref<32x1024xf32, #tpu.memory_space<hbm>>
        tpu.wait_dma2 semaphore(%run_scoped3A : memref<!tpu.dma_semaphore, #tpu.memory_space<semaphore_mem>>) src(%arg7 : memref<32x1024xf32, #tpu.memory_space<vmem>>) dst(%dma_wait3A_72 : memref<32x1024xf32, #tpu.memory_space<hbm>>)
        tpu.yield
      }) : () -> ()
    } else {
    }
    %gt3A_45 = arith.constant 64 : i32
    %gt3A_46 = arith.cmpi sgt, %squeeze3A_34, %gt3A_45 : i32
    %convert_element_type3A_47 = arith.extui %gt3A_46 : i1 to i32
    %cond3A_48 = arith.constant 0 : i32
    %cond3A_49 = arith.cmpi ne, %convert_element_type3A_47, %cond3A_48 : i32
    scf.if %cond3A_49 {
      %dma_start3A = arith.constant 192 : i32
      %dma_start3A_55 = tpu.memref_slice %arg6[%dma_start3A] : memref<256xi32, #tpu.memory_space<vmem>> -> memref<32xi32, #tpu.memory_space<vmem>>
      %dma_start3A_56 = arith.constant 0 : i32
      %dma_start3A_57 = arith.constant 0 : i32
      %dma_start3A_58 = tpu.memref_slice %arg2[%dma_start3A_56, %dma_start3A_57] : memref<2048x1024xf32, #tpu.memory_space<hbm>> -> memref<2048x1024xf32, #tpu.memory_space<hbm>>
      tpu.enqueue_indirect_dma source(%dma_start3A_58 : memref<2048x1024xf32, #tpu.memory_space<hbm>>) target(%arg7 : memref<32x1024xf32, #tpu.memory_space<vmem>>) offsets(%dma_start3A_55 : memref<32xi32, #tpu.memory_space<vmem>>) semaphore(%arg9 : memref<!tpu.dma_semaphore, #tpu.memory_space<semaphore_mem>>)
      %dma_wait3A = arith.constant 192 : i32
      %dma_wait3A_59 = tpu.memref_slice %arg6[%dma_wait3A] : memref<256xi32, #tpu.memory_space<vmem>> -> memref<32xi32, #tpu.memory_space<vmem>>
      %dma_wait3A_60 = arith.constant 0 : i32
      %dma_wait3A_61 = arith.constant 0 : i32
      %dma_wait3A_62 = tpu.memref_slice %arg2[%dma_wait3A_60, %dma_wait3A_61] : memref<2048x1024xf32, #tpu.memory_space<hbm>> -> memref<2048x1024xf32, #tpu.memory_space<hbm>>
      tpu.wait_indirect_dma semaphore(%arg9 : memref<!tpu.dma_semaphore, #tpu.memory_space<semaphore_mem>>) src(%dma_wait3A_62 : memref<2048x1024xf32, #tpu.memory_space<hbm>>) dst(%arg7 : memref<32x1024xf32, #tpu.memory_space<vmem>>)
      %add3A_63 = arith.constant 192 : i32
      %add3A_64 = arith.addi %mul3A_2, %add3A_63 : i32
      "tpu.region"() ({
        %run_scoped3A = tpu.sem_alloc : memref<!tpu.dma_semaphore, #tpu.memory_space<semaphore_mem>>
        %dma_start3A_65 = arith.constant 0 : i32
        %dma_start3A_66 = tpu.memref_slice %arg5[%add3A_64, %dma_start3A_65] : memref<8192x1024xf32, #tpu.memory_space<hbm>> -> memref<32x1024xf32, #tpu.memory_space<hbm>>
        %dma_start3A_67 = arith.constant 0 : i32
        %dma_start3A_68 = tpu.memref_slice %arg5[%add3A_64, %dma_start3A_67] : memref<8192x1024xf32, #tpu.memory_space<hbm>> -> memref<32x1024xf32, #tpu.memory_space<hbm>>
        tpu.enqueue_dma source(%arg7 : memref<32x1024xf32, #tpu.memory_space<vmem>>) target(%dma_start3A_68 : memref<32x1024xf32, #tpu.memory_space<hbm>>) target_semaphore(%run_scoped3A : memref<!tpu.dma_semaphore, #tpu.memory_space<semaphore_mem>>)
        %dma_wait3A_69 = arith.constant 0 : i32
        %dma_wait3A_70 = tpu.memref_slice %arg5[%add3A_64, %dma_wait3A_69] : memref<8192x1024xf32, #tpu.memory_space<hbm>> -> memref<32x1024xf32, #tpu.memory_space<hbm>>
        %dma_wait3A_71 = arith.constant 0 : i32
        %dma_wait3A_72 = tpu.memref_slice %arg5[%add3A_64, %dma_wait3A_71] : memref<8192x1024xf32, #tpu.memory_space<hbm>> -> memref<32x1024xf32, #tpu.memory_space<hbm>>
        tpu.wait_dma2 semaphore(%run_scoped3A : memref<!tpu.dma_semaphore, #tpu.memory_space<semaphore_mem>>) src(%arg7 : memref<32x1024xf32, #tpu.memory_space<vmem>>) dst(%dma_wait3A_72 : memref<32x1024xf32, #tpu.memory_space<hbm>>)
        tpu.yield
      }) : () -> ()
    } else {
    }
    %gt3A_50 = arith.constant 96 : i32
    %gt3A_51 = arith.cmpi sgt, %squeeze3A_34, %gt3A_50 : i32
    %convert_element_type3A_52 = arith.extui %gt3A_51 : i1 to i32
    %cond3A_53 = arith.constant 0 : i32
    %cond3A_54 = arith.cmpi ne, %convert_element_type3A_52, %cond3A_53 : i32
    scf.if %cond3A_54 {
      %dma_start3A = arith.constant 224 : i32
      %dma_start3A_55 = tpu.memref_slice %arg6[%dma_start3A] : memref<256xi32, #tpu.memory_space<vmem>> -> memref<32xi32, #tpu.memory_space<vmem>>
      %dma_start3A_56 = arith.constant 0 : i32
      %dma_start3A_57 = arith.constant 0 : i32
      %dma_start3A_58 = tpu.memref_slice %arg2[%dma_start3A_56, %dma_start3A_57] : memref<2048x1024xf32, #tpu.memory_space<hbm>> -> memref<2048x1024xf32, #tpu.memory_space<hbm>>
      tpu.enqueue_indirect_dma source(%dma_start3A_58 : memref<2048x1024xf32, #tpu.memory_space<hbm>>) target(%arg7 : memref<32x1024xf32, #tpu.memory_space<vmem>>) offsets(%dma_start3A_55 : memref<32xi32, #tpu.memory_space<vmem>>) semaphore(%arg9 : memref<!tpu.dma_semaphore, #tpu.memory_space<semaphore_mem>>)
      %dma_wait3A = arith.constant 224 : i32
      %dma_wait3A_59 = tpu.memref_slice %arg6[%dma_wait3A] : memref<256xi32, #tpu.memory_space<vmem>> -> memref<32xi32, #tpu.memory_space<vmem>>
      %dma_wait3A_60 = arith.constant 0 : i32
      %dma_wait3A_61 = arith.constant 0 : i32
      %dma_wait3A_62 = tpu.memref_slice %arg2[%dma_wait3A_60, %dma_wait3A_61] : memref<2048x1024xf32, #tpu.memory_space<hbm>> -> memref<2048x1024xf32, #tpu.memory_space<hbm>>
      tpu.wait_indirect_dma semaphore(%arg9 : memref<!tpu.dma_semaphore, #tpu.memory_space<semaphore_mem>>) src(%dma_wait3A_62 : memref<2048x1024xf32, #tpu.memory_space<hbm>>) dst(%arg7 : memref<32x1024xf32, #tpu.memory_space<vmem>>)
      %add3A_63 = arith.constant 224 : i32
      %add3A_64 = arith.addi %mul3A_2, %add3A_63 : i32
      "tpu.region"() ({
        %run_scoped3A = tpu.sem_alloc : memref<!tpu.dma_semaphore, #tpu.memory_space<semaphore_mem>>
        %dma_start3A_65 = arith.constant 0 : i32
        %dma_start3A_66 = tpu.memref_slice %arg5[%add3A_64, %dma_start3A_65] : memref<8192x1024xf32, #tpu.memory_space<hbm>> -> memref<32x1024xf32, #tpu.memory_space<hbm>>
        %dma_start3A_67 = arith.constant 0 : i32
        %dma_start3A_68 = tpu.memref_slice %arg5[%add3A_64, %dma_start3A_67] : memref<8192x1024xf32, #tpu.memory_space<hbm>> -> memref<32x1024xf32, #tpu.memory_space<hbm>>
        tpu.enqueue_dma source(%arg7 : memref<32x1024xf32, #tpu.memory_space<vmem>>) target(%dma_start3A_68 : memref<32x1024xf32, #tpu.memory_space<hbm>>) target_semaphore(%run_scoped3A : memref<!tpu.dma_semaphore, #tpu.memory_space<semaphore_mem>>)
        %dma_wait3A_69 = arith.constant 0 : i32
        %dma_wait3A_70 = tpu.memref_slice %arg5[%add3A_64, %dma_wait3A_69] : memref<8192x1024xf32, #tpu.memory_space<hbm>> -> memref<32x1024xf32, #tpu.memory_space<hbm>>
        %dma_wait3A_71 = arith.constant 0 : i32
        %dma_wait3A_72 = tpu.memref_slice %arg5[%add3A_64, %dma_wait3A_71] : memref<8192x1024xf32, #tpu.memory_space<hbm>> -> memref<32x1024xf32, #tpu.memory_space<hbm>>
        tpu.wait_dma2 semaphore(%run_scoped3A : memref<!tpu.dma_semaphore, #tpu.memory_space<semaphore_mem>>) src(%arg7 : memref<32x1024xf32, #tpu.memory_space<vmem>>) dst(%dma_wait3A_72 : memref<32x1024xf32, #tpu.memory_space<hbm>>)
        tpu.yield
      }) : () -> ()
    } else {
    }
    return
  }
}

#map = affine_map<(d0, d1) -> (0, 0)>
#map1 = affine_map<(d0, d1) -> (0)>
module attributes {stable_mosaic.version = 14 : i64} {
  func.func @gather(%arg0: i32, %arg1: i32, %arg2: memref<8192x1024xf32, #tpu.memory_space<hbm>>, %arg3: memref<2048xi32, #tpu.memory_space<hbm>>, %arg4: memref<2048x1024xf32, #tpu.memory_space<hbm>>, %arg5: memref<64xi32, #tpu.memory_space<vmem>>, %arg6: memref<64x1024xf32, #tpu.memory_space<vmem>>, %arg7: memref<!tpu.dma_semaphore, #tpu.memory_space<semaphore_mem>>) attributes {dimension_semantics = [#tpu.dimension_semantics<core_parallel>, #tpu.dimension_semantics<subcore_parallel>], iteration_bounds = array<i64: 2, 16>, scalar_prefetch = 0 : i64, scratch_operands = 3 : i64, tpu.core_type = #tpu.core_type<sc_vector_subcore>, window_params = [{transform_indices = #map}, {transform_indices = #map1}, {transform_indices = #map}]} {
    %mul3A = arith.constant 2 : i32
    %mul3A_0 = arith.muli %arg1, %mul3A : i32
    %add3A = arith.addi %mul3A_0, %arg0 : i32
    %mul3A_1 = arith.constant 64 : i32
    %mul3A_2 = arith.muli %add3A, %mul3A_1 : i32
    %add3A_3 = arith.constant 0 : i32
    %add3A_4 = arith.addi %mul3A_2, %add3A_3 : i32
    "tpu.region"() ({
      %run_scoped3A = tpu.sem_alloc : memref<!tpu.dma_semaphore, #tpu.memory_space<semaphore_mem>>
      %dma_start3A_9 = tpu.memref_slice %arg3[%add3A_4] : memref<2048xi32, #tpu.memory_space<hbm>> -> memref<64xi32, #tpu.memory_space<hbm>>
      %dma_start3A_10 = tpu.memref_slice %arg3[%add3A_4] : memref<2048xi32, #tpu.memory_space<hbm>> -> memref<64xi32, #tpu.memory_space<hbm>>
      tpu.enqueue_dma source(%dma_start3A_10 : memref<64xi32, #tpu.memory_space<hbm>>) target(%arg5 : memref<64xi32, #tpu.memory_space<vmem>>) target_semaphore(%run_scoped3A : memref<!tpu.dma_semaphore, #tpu.memory_space<semaphore_mem>>)
      %dma_wait3A_11 = tpu.memref_slice %arg3[%add3A_4] : memref<2048xi32, #tpu.memory_space<hbm>> -> memref<64xi32, #tpu.memory_space<hbm>>
      %dma_wait3A_12 = tpu.memref_slice %arg3[%add3A_4] : memref<2048xi32, #tpu.memory_space<hbm>> -> memref<64xi32, #tpu.memory_space<hbm>>
      tpu.wait_dma2 semaphore(%run_scoped3A : memref<!tpu.dma_semaphore, #tpu.memory_space<semaphore_mem>>) src(%dma_wait3A_12 : memref<64xi32, #tpu.memory_space<hbm>>) dst(%arg5 : memref<64xi32, #tpu.memory_space<vmem>>)
      tpu.yield
    }) : () -> ()
    %dma_start3A = arith.constant 0 : i32
    %dma_start3A_5 = arith.constant 0 : i32
    %dma_start3A_6 = tpu.memref_slice %arg2[%dma_start3A, %dma_start3A_5] : memref<8192x1024xf32, #tpu.memory_space<hbm>> -> memref<8192x1024xf32, #tpu.memory_space<hbm>>
    tpu.enqueue_indirect_dma source(%dma_start3A_6 : memref<8192x1024xf32, #tpu.memory_space<hbm>>) target(%arg6 : memref<64x1024xf32, #tpu.memory_space<vmem>>) offsets(%arg5 : memref<64xi32, #tpu.memory_space<vmem>>) semaphore(%arg7 : memref<!tpu.dma_semaphore, #tpu.memory_space<semaphore_mem>>)
    %dma_wait3A = arith.constant 0 : i32
    %dma_wait3A_7 = arith.constant 0 : i32
    %dma_wait3A_8 = tpu.memref_slice %arg2[%dma_wait3A, %dma_wait3A_7] : memref<8192x1024xf32, #tpu.memory_space<hbm>> -> memref<8192x1024xf32, #tpu.memory_space<hbm>>
    tpu.wait_indirect_dma semaphore(%arg7 : memref<!tpu.dma_semaphore, #tpu.memory_space<semaphore_mem>>) src(%dma_wait3A_8 : memref<8192x1024xf32, #tpu.memory_space<hbm>>) dst(%arg6 : memref<64x1024xf32, #tpu.memory_space<vmem>>)
    "tpu.region"() ({
      %run_scoped3A = tpu.sem_alloc : memref<!tpu.dma_semaphore, #tpu.memory_space<semaphore_mem>>
      %dma_start3A_9 = arith.constant 0 : i32
      %dma_start3A_10 = tpu.memref_slice %arg4[%add3A_4, %dma_start3A_9] : memref<2048x1024xf32, #tpu.memory_space<hbm>> -> memref<64x1024xf32, #tpu.memory_space<hbm>>
      %dma_start3A_11 = arith.constant 0 : i32
      %dma_start3A_12 = tpu.memref_slice %arg4[%add3A_4, %dma_start3A_11] : memref<2048x1024xf32, #tpu.memory_space<hbm>> -> memref<64x1024xf32, #tpu.memory_space<hbm>>
      tpu.enqueue_dma source(%arg6 : memref<64x1024xf32, #tpu.memory_space<vmem>>) target(%dma_start3A_12 : memref<64x1024xf32, #tpu.memory_space<hbm>>) target_semaphore(%run_scoped3A : memref<!tpu.dma_semaphore, #tpu.memory_space<semaphore_mem>>)
      %dma_wait3A_13 = arith.constant 0 : i32
      %dma_wait3A_14 = tpu.memref_slice %arg4[%add3A_4, %dma_wait3A_13] : memref<2048x1024xf32, #tpu.memory_space<hbm>> -> memref<64x1024xf32, #tpu.memory_space<hbm>>
      %dma_wait3A_15 = arith.constant 0 : i32
      %dma_wait3A_16 = tpu.memref_slice %arg4[%add3A_4, %dma_wait3A_15] : memref<2048x1024xf32, #tpu.memory_space<hbm>> -> memref<64x1024xf32, #tpu.memory_space<hbm>>
      tpu.wait_dma2 semaphore(%run_scoped3A : memref<!tpu.dma_semaphore, #tpu.memory_space<semaphore_mem>>) src(%arg6 : memref<64x1024xf32, #tpu.memory_space<vmem>>) dst(%dma_wait3A_16 : memref<64x1024xf32, #tpu.memory_space<hbm>>)
      tpu.yield
    }) : () -> ()
    return
  }
}

module attributes {stable_mosaic.version = 14 : i64} {
  func.func @_router_body(%arg0: memref<2048x1024xf32, #tpu.memory_space<vmem>>, %arg1: memref<64x1024xf32, #tpu.memory_space<vmem>>, %arg2: memref<64x128xi32, #tpu.memory_space<vmem>>, %arg3: memref<8192x1xf32, #tpu.memory_space<vmem>>, %arg4: memref<2048x1xi32, #tpu.memory_space<vmem>>, %arg5: memref<1x64xi32, #tpu.memory_space<vmem>>) attributes {dimension_semantics = [], scalar_prefetch = 0 : i64, scratch_operands = 0 : i64, tpu.core_type = #tpu.core_type<tc>} {
    %get3A = arith.constant 0 : index
    %get3A_0 = arith.constant 0 : index
    %get3A_1 = vector.load %arg0[%get3A, %get3A_0] : memref<2048x1024xf32, #tpu.memory_space<vmem>>, vector<2048x1024xf32>
    %get3A_2 = arith.constant 0 : index
    %get3A_3 = arith.constant 0 : index
    %get3A_4 = vector.load %arg1[%get3A_2, %get3A_3] : memref<64x1024xf32, #tpu.memory_space<vmem>>, vector<64x1024xf32>
    %dot_general3A = arith.constant dense<0.000000e+00> : vector<2048x64xf32>
    %dot_general3A_5 = tpu.matmul %get3A_1, %get3A_4, %dot_general3A {dimension_numbers = #tpu.dot_dimension_numbers<[1], [1], [0], [0], [0, 0, 1, 0], [], []>, transpose_lhs_hint = false} : vector<2048x1024xf32>, vector<64x1024xf32>, vector<2048x64xf32> -> vector<2048x64xf32>
    %reduce_max3A = arith.constant dense<0xFF800000> : vector<2048xf32>
    %reduce_max3A_6 = vector.multi_reduction <maximumf>, %dot_general3A_5, %reduce_max3A [1] : vector<2048x64xf32> to vector<2048xf32>
    %broadcast_in_dim3A = vector.shape_cast %reduce_max3A_6 : vector<2048xf32> to vector<2048x1xf32>
    %iota3A = tpu.iota {dimensions = array<i32: 1>} : vector<2048x64xi32>
    %convert_element_type3A = arith.sitofp %iota3A : vector<2048x64xi32> to vector<2048x64xf32>
    %ge3A = vector.broadcast %broadcast_in_dim3A : vector<2048x1xf32> to vector<2048x64xf32>
    %ge3A_7 = arith.cmpf oge, %dot_general3A_5, %ge3A : vector<2048x64xf32>
    %jit3A = arith.constant 6.400000e+01 : f32
    %broadcast_in_dim3A_8 = vector.broadcast %jit3A : f32 to vector<2048x64xf32>
    %select_n3A = arith.select %ge3A_7, %convert_element_type3A, %broadcast_in_dim3A_8 : vector<2048x64xi1>, vector<2048x64xf32>
    %reduce_min3A = arith.constant dense<0x7F800000> : vector<2048xf32>
    %reduce_min3A_9 = vector.multi_reduction <minimumf>, %select_n3A, %reduce_min3A [1] : vector<2048x64xf32> to vector<2048xf32>
    %broadcast_in_dim3A_10 = vector.shape_cast %reduce_min3A_9 : vector<2048xf32> to vector<2048x1xf32>
    %eq3A = vector.broadcast %broadcast_in_dim3A_10 : vector<2048x1xf32> to vector<2048x64xf32>
    %eq3A_11 = arith.cmpf oeq, %convert_element_type3A, %eq3A : vector<2048x64xf32>
    %convert_element_type3A_12 = arith.extui %eq3A_11 : vector<2048x64xi1> to vector<2048x64xi32>
    %convert_element_type3A_13 = arith.sitofp %convert_element_type3A_12 : vector<2048x64xi32> to vector<2048x64xf32>
    %iota3A_14 = tpu.iota {dimensions = array<i32: 0>} : vector<128x128xi32>
    %iota3A_15 = tpu.iota {dimensions = array<i32: 1>} : vector<128x128xi32>
    %le3A = arith.cmpi sle, %iota3A_15, %iota3A_14 : vector<128x128xi32>
    %convert_element_type3A_16 = arith.extui %le3A : vector<128x128xi1> to vector<128x128xi32>
    %convert_element_type3A_17 = arith.sitofp %convert_element_type3A_16 : vector<128x128xi32> to vector<128x128xf32>
    %slice3A = vector.extract_strided_slice %convert_element_type3A_13 {offsets = [0, 0], sizes = [128, 64], strides = [1, 1]} : vector<2048x64xf32> to vector<128x64xf32>
    %dot_general3A_18 = arith.constant dense<0.000000e+00> : vector<128x64xf32>
    %dot_general3A_19 = tpu.matmul %convert_element_type3A_17, %slice3A, %dot_general3A_18 {dimension_numbers = #tpu.dot_dimension_numbers<[1], [0], [0], [1], [0, 0, 1, 1], [], []>, transpose_lhs_hint = false} : vector<128x128xf32>, vector<128x64xf32>, vector<128x64xf32> -> vector<128x64xf32>
    %slice3A_20 = vector.extract_strided_slice %dot_general3A_19 {offsets = [127, 0], sizes = [1, 64], strides = [1, 1]} : vector<128x64xf32> to vector<1x64xf32>
    %slice3A_21 = vector.extract_strided_slice %convert_element_type3A_13 {offsets = [128, 0], sizes = [128, 64], strides = [1, 1]} : vector<2048x64xf32> to vector<128x64xf32>
    %dot_general3A_22 = arith.constant dense<0.000000e+00> : vector<128x64xf32>
    %dot_general3A_23 = tpu.matmul %convert_element_type3A_17, %slice3A_21, %dot_general3A_22 {dimension_numbers = #tpu.dot_dimension_numbers<[1], [0], [0], [1], [0, 0, 1, 1], [], []>, transpose_lhs_hint = false} : vector<128x128xf32>, vector<128x64xf32>, vector<128x64xf32> -> vector<128x64xf32>
    %slice3A_24 = vector.extract_strided_slice %dot_general3A_23 {offsets = [127, 0], sizes = [1, 64], strides = [1, 1]} : vector<128x64xf32> to vector<1x64xf32>
    %slice3A_25 = vector.extract_strided_slice %convert_element_type3A_13 {offsets = [256, 0], sizes = [128, 64], strides = [1, 1]} : vector<2048x64xf32> to vector<128x64xf32>
    %dot_general3A_26 = arith.constant dense<0.000000e+00> : vector<128x64xf32>
    %dot_general3A_27 = tpu.matmul %convert_element_type3A_17, %slice3A_25, %dot_general3A_26 {dimension_numbers = #tpu.dot_dimension_numbers<[1], [0], [0], [1], [0, 0, 1, 1], [], []>, transpose_lhs_hint = false} : vector<128x128xf32>, vector<128x64xf32>, vector<128x64xf32> -> vector<128x64xf32>
    %slice3A_28 = vector.extract_strided_slice %dot_general3A_27 {offsets = [127, 0], sizes = [1, 64], strides = [1, 1]} : vector<128x64xf32> to vector<1x64xf32>
    %slice3A_29 = vector.extract_strided_slice %convert_element_type3A_13 {offsets = [384, 0], sizes = [128, 64], strides = [1, 1]} : vector<2048x64xf32> to vector<128x64xf32>
    %dot_general3A_30 = arith.constant dense<0.000000e+00> : vector<128x64xf32>
    %dot_general3A_31 = tpu.matmul %convert_element_type3A_17, %slice3A_29, %dot_general3A_30 {dimension_numbers = #tpu.dot_dimension_numbers<[1], [0], [0], [1], [0, 0, 1, 1], [], []>, transpose_lhs_hint = false} : vector<128x128xf32>, vector<128x64xf32>, vector<128x64xf32> -> vector<128x64xf32>
    %slice3A_32 = vector.extract_strided_slice %dot_general3A_31 {offsets = [127, 0], sizes = [1, 64], strides = [1, 1]} : vector<128x64xf32> to vector<1x64xf32>
    %slice3A_33 = vector.extract_strided_slice %convert_element_type3A_13 {offsets = [512, 0], sizes = [128, 64], strides = [1, 1]} : vector<2048x64xf32> to vector<128x64xf32>
    %dot_general3A_34 = arith.constant dense<0.000000e+00> : vector<128x64xf32>
    %dot_general3A_35 = tpu.matmul %convert_element_type3A_17, %slice3A_33, %dot_general3A_34 {dimension_numbers = #tpu.dot_dimension_numbers<[1], [0], [0], [1], [0, 0, 1, 1], [], []>, transpose_lhs_hint = false} : vector<128x128xf32>, vector<128x64xf32>, vector<128x64xf32> -> vector<128x64xf32>
    %slice3A_36 = vector.extract_strided_slice %dot_general3A_35 {offsets = [127, 0], sizes = [1, 64], strides = [1, 1]} : vector<128x64xf32> to vector<1x64xf32>
    %slice3A_37 = vector.extract_strided_slice %convert_element_type3A_13 {offsets = [640, 0], sizes = [128, 64], strides = [1, 1]} : vector<2048x64xf32> to vector<128x64xf32>
    %dot_general3A_38 = arith.constant dense<0.000000e+00> : vector<128x64xf32>
    %dot_general3A_39 = tpu.matmul %convert_element_type3A_17, %slice3A_37, %dot_general3A_38 {dimension_numbers = #tpu.dot_dimension_numbers<[1], [0], [0], [1], [0, 0, 1, 1], [], []>, transpose_lhs_hint = false} : vector<128x128xf32>, vector<128x64xf32>, vector<128x64xf32> -> vector<128x64xf32>
    %slice3A_40 = vector.extract_strided_slice %dot_general3A_39 {offsets = [127, 0], sizes = [1, 64], strides = [1, 1]} : vector<128x64xf32> to vector<1x64xf32>
    %slice3A_41 = vector.extract_strided_slice %convert_element_type3A_13 {offsets = [768, 0], sizes = [128, 64], strides = [1, 1]} : vector<2048x64xf32> to vector<128x64xf32>
    %dot_general3A_42 = arith.constant dense<0.000000e+00> : vector<128x64xf32>
    %dot_general3A_43 = tpu.matmul %convert_element_type3A_17, %slice3A_41, %dot_general3A_42 {dimension_numbers = #tpu.dot_dimension_numbers<[1], [0], [0], [1], [0, 0, 1, 1], [], []>, transpose_lhs_hint = false} : vector<128x128xf32>, vector<128x64xf32>, vector<128x64xf32> -> vector<128x64xf32>
    %slice3A_44 = vector.extract_strided_slice %dot_general3A_43 {offsets = [127, 0], sizes = [1, 64], strides = [1, 1]} : vector<128x64xf32> to vector<1x64xf32>
    %slice3A_45 = vector.extract_strided_slice %convert_element_type3A_13 {offsets = [896, 0], sizes = [128, 64], strides = [1, 1]} : vector<2048x64xf32> to vector<128x64xf32>
    %dot_general3A_46 = arith.constant dense<0.000000e+00> : vector<128x64xf32>
    %dot_general3A_47 = tpu.matmul %convert_element_type3A_17, %slice3A_45, %dot_general3A_46 {dimension_numbers = #tpu.dot_dimension_numbers<[1], [0], [0], [1], [0, 0, 1, 1], [], []>, transpose_lhs_hint = false} : vector<128x128xf32>, vector<128x64xf32>, vector<128x64xf32> -> vector<128x64xf32>
    %slice3A_48 = vector.extract_strided_slice %dot_general3A_47 {offsets = [127, 0], sizes = [1, 64], strides = [1, 1]} : vector<128x64xf32> to vector<1x64xf32>
    %slice3A_49 = vector.extract_strided_slice %convert_element_type3A_13 {offsets = [1024, 0], sizes = [128, 64], strides = [1, 1]} : vector<2048x64xf32> to vector<128x64xf32>
    %dot_general3A_50 = arith.constant dense<0.000000e+00> : vector<128x64xf32>
    %dot_general3A_51 = tpu.matmul %convert_element_type3A_17, %slice3A_49, %dot_general3A_50 {dimension_numbers = #tpu.dot_dimension_numbers<[1], [0], [0], [1], [0, 0, 1, 1], [], []>, transpose_lhs_hint = false} : vector<128x128xf32>, vector<128x64xf32>, vector<128x64xf32> -> vector<128x64xf32>
    %slice3A_52 = vector.extract_strided_slice %dot_general3A_51 {offsets = [127, 0], sizes = [1, 64], strides = [1, 1]} : vector<128x64xf32> to vector<1x64xf32>
    %slice3A_53 = vector.extract_strided_slice %convert_element_type3A_13 {offsets = [1152, 0], sizes = [128, 64], strides = [1, 1]} : vector<2048x64xf32> to vector<128x64xf32>
    %dot_general3A_54 = arith.constant dense<0.000000e+00> : vector<128x64xf32>
    %dot_general3A_55 = tpu.matmul %convert_element_type3A_17, %slice3A_53, %dot_general3A_54 {dimension_numbers = #tpu.dot_dimension_numbers<[1], [0], [0], [1], [0, 0, 1, 1], [], []>, transpose_lhs_hint = false} : vector<128x128xf32>, vector<128x64xf32>, vector<128x64xf32> -> vector<128x64xf32>
    %slice3A_56 = vector.extract_strided_slice %dot_general3A_55 {offsets = [127, 0], sizes = [1, 64], strides = [1, 1]} : vector<128x64xf32> to vector<1x64xf32>
    %slice3A_57 = vector.extract_strided_slice %convert_element_type3A_13 {offsets = [1280, 0], sizes = [128, 64], strides = [1, 1]} : vector<2048x64xf32> to vector<128x64xf32>
    %dot_general3A_58 = arith.constant dense<0.000000e+00> : vector<128x64xf32>
    %dot_general3A_59 = tpu.matmul %convert_element_type3A_17, %slice3A_57, %dot_general3A_58 {dimension_numbers = #tpu.dot_dimension_numbers<[1], [0], [0], [1], [0, 0, 1, 1], [], []>, transpose_lhs_hint = false} : vector<128x128xf32>, vector<128x64xf32>, vector<128x64xf32> -> vector<128x64xf32>
    %slice3A_60 = vector.extract_strided_slice %dot_general3A_59 {offsets = [127, 0], sizes = [1, 64], strides = [1, 1]} : vector<128x64xf32> to vector<1x64xf32>
    %slice3A_61 = vector.extract_strided_slice %convert_element_type3A_13 {offsets = [1408, 0], sizes = [128, 64], strides = [1, 1]} : vector<2048x64xf32> to vector<128x64xf32>
    %dot_general3A_62 = arith.constant dense<0.000000e+00> : vector<128x64xf32>
    %dot_general3A_63 = tpu.matmul %convert_element_type3A_17, %slice3A_61, %dot_general3A_62 {dimension_numbers = #tpu.dot_dimension_numbers<[1], [0], [0], [1], [0, 0, 1, 1], [], []>, transpose_lhs_hint = false} : vector<128x128xf32>, vector<128x64xf32>, vector<128x64xf32> -> vector<128x64xf32>
    %slice3A_64 = vector.extract_strided_slice %dot_general3A_63 {offsets = [127, 0], sizes = [1, 64], strides = [1, 1]} : vector<128x64xf32> to vector<1x64xf32>
    %slice3A_65 = vector.extract_strided_slice %convert_element_type3A_13 {offsets = [1536, 0], sizes = [128, 64], strides = [1, 1]} : vector<2048x64xf32> to vector<128x64xf32>
    %dot_general3A_66 = arith.constant dense<0.000000e+00> : vector<128x64xf32>
    %dot_general3A_67 = tpu.matmul %convert_element_type3A_17, %slice3A_65, %dot_general3A_66 {dimension_numbers = #tpu.dot_dimension_numbers<[1], [0], [0], [1], [0, 0, 1, 1], [], []>, transpose_lhs_hint = false} : vector<128x128xf32>, vector<128x64xf32>, vector<128x64xf32> -> vector<128x64xf32>
    %slice3A_68 = vector.extract_strided_slice %dot_general3A_67 {offsets = [127, 0], sizes = [1, 64], strides = [1, 1]} : vector<128x64xf32> to vector<1x64xf32>
    %slice3A_69 = vector.extract_strided_slice %convert_element_type3A_13 {offsets = [1664, 0], sizes = [128, 64], strides = [1, 1]} : vector<2048x64xf32> to vector<128x64xf32>
    %dot_general3A_70 = arith.constant dense<0.000000e+00> : vector<128x64xf32>
    %dot_general3A_71 = tpu.matmul %convert_element_type3A_17, %slice3A_69, %dot_general3A_70 {dimension_numbers = #tpu.dot_dimension_numbers<[1], [0], [0], [1], [0, 0, 1, 1], [], []>, transpose_lhs_hint = false} : vector<128x128xf32>, vector<128x64xf32>, vector<128x64xf32> -> vector<128x64xf32>
    %slice3A_72 = vector.extract_strided_slice %dot_general3A_71 {offsets = [127, 0], sizes = [1, 64], strides = [1, 1]} : vector<128x64xf32> to vector<1x64xf32>
    %slice3A_73 = vector.extract_strided_slice %convert_element_type3A_13 {offsets = [1792, 0], sizes = [128, 64], strides = [1, 1]} : vector<2048x64xf32> to vector<128x64xf32>
    %dot_general3A_74 = arith.constant dense<0.000000e+00> : vector<128x64xf32>
    %dot_general3A_75 = tpu.matmul %convert_element_type3A_17, %slice3A_73, %dot_general3A_74 {dimension_numbers = #tpu.dot_dimension_numbers<[1], [0], [0], [1], [0, 0, 1, 1], [], []>, transpose_lhs_hint = false} : vector<128x128xf32>, vector<128x64xf32>, vector<128x64xf32> -> vector<128x64xf32>
    %slice3A_76 = vector.extract_strided_slice %dot_general3A_75 {offsets = [127, 0], sizes = [1, 64], strides = [1, 1]} : vector<128x64xf32> to vector<1x64xf32>
    %slice3A_77 = vector.extract_strided_slice %convert_element_type3A_13 {offsets = [1920, 0], sizes = [128, 64], strides = [1, 1]} : vector<2048x64xf32> to vector<128x64xf32>
    %dot_general3A_78 = arith.constant dense<0.000000e+00> : vector<128x64xf32>
    %dot_general3A_79 = tpu.matmul %convert_element_type3A_17, %slice3A_77, %dot_general3A_78 {dimension_numbers = #tpu.dot_dimension_numbers<[1], [0], [0], [1], [0, 0, 1, 1], [], []>, transpose_lhs_hint = false} : vector<128x128xf32>, vector<128x64xf32>, vector<128x64xf32> -> vector<128x64xf32>
    %slice3A_80 = vector.extract_strided_slice %dot_general3A_79 {offsets = [127, 0], sizes = [1, 64], strides = [1, 1]} : vector<128x64xf32> to vector<1x64xf32>
    %concatenate3A = tpu.concatenate %dot_general3A_19, %dot_general3A_23, %dot_general3A_27, %dot_general3A_31, %dot_general3A_35, %dot_general3A_39, %dot_general3A_43, %dot_general3A_47, %dot_general3A_51, %dot_general3A_55, %dot_general3A_59, %dot_general3A_63, %dot_general3A_67, %dot_general3A_71, %dot_general3A_75, %dot_general3A_79 in 0 : vector<128x64xf32>, vector<128x64xf32>, vector<128x64xf32>, vector<128x64xf32>, vector<128x64xf32>, vector<128x64xf32>, vector<128x64xf32>, vector<128x64xf32>, vector<128x64xf32>, vector<128x64xf32>, vector<128x64xf32>, vector<128x64xf32>, vector<128x64xf32>, vector<128x64xf32>, vector<128x64xf32>, vector<128x64xf32> -> vector<2048x64xf32>
    %concatenate3A_81 = tpu.concatenate %slice3A_20, %slice3A_24, %slice3A_28, %slice3A_32, %slice3A_36, %slice3A_40, %slice3A_44, %slice3A_48, %slice3A_52, %slice3A_56, %slice3A_60, %slice3A_64, %slice3A_68, %slice3A_72, %slice3A_76, %slice3A_80 in 0 : vector<1x64xf32>, vector<1x64xf32>, vector<1x64xf32>, vector<1x64xf32>, vector<1x64xf32>, vector<1x64xf32>, vector<1x64xf32>, vector<1x64xf32>, vector<1x64xf32>, vector<1x64xf32>, vector<1x64xf32>, vector<1x64xf32>, vector<1x64xf32>, vector<1x64xf32>, vector<1x64xf32>, vector<1x64xf32> -> vector<16x64xf32>
    %iota3A_82 = tpu.iota {dimensions = array<i32: 0>} : vector<16x16xi32>
    %iota3A_83 = tpu.iota {dimensions = array<i32: 1>} : vector<16x16xi32>
    %lt3A = arith.cmpi slt, %iota3A_83, %iota3A_82 : vector<16x16xi32>
    %convert_element_type3A_84 = arith.extui %lt3A : vector<16x16xi1> to vector<16x16xi32>
    %convert_element_type3A_85 = arith.sitofp %convert_element_type3A_84 : vector<16x16xi32> to vector<16x16xf32>
    %dot_general3A_86 = arith.constant dense<0.000000e+00> : vector<16x64xf32>
    %dot_general3A_87 = tpu.matmul %convert_element_type3A_85, %concatenate3A_81, %dot_general3A_86 {dimension_numbers = #tpu.dot_dimension_numbers<[1], [0], [0], [1], [0, 0, 1, 1], [], []>, transpose_lhs_hint = false} : vector<16x16xf32>, vector<16x64xf32>, vector<16x64xf32> -> vector<16x64xf32>
    %iota3A_88 = tpu.iota {dimensions = array<i32: 0>} : vector<2048x16xi32>
    %jit3A_89 = arith.constant 128 : i32
    %div3A = vector.broadcast %jit3A_89 : i32 to vector<2048x16xi32>
    %div3A_90 = arith.divsi %iota3A_88, %div3A : vector<2048x16xi32>
    %sign3A = arith.constant 0 : i32
    %sign3A_91 = vector.broadcast %sign3A : i32 to vector<2048x16xi32>
    %sign3A_92 = arith.cmpi sgt, %iota3A_88, %sign3A_91 : vector<2048x16xi32>
    %sign3A_93 = arith.extui %sign3A_92 : vector<2048x16xi1> to vector<2048x16xi32>
    %sign3A_94 = arith.constant 0 : i32
    %sign3A_95 = vector.broadcast %sign3A_94 : i32 to vector<2048x16xi32>
    %sign3A_96 = arith.cmpi slt, %iota3A_88, %sign3A_95 : vector<2048x16xi32>
    %sign3A_97 = arith.extui %sign3A_96 : vector<2048x16xi1> to vector<2048x16xi32>
    %sign3A_98 = arith.subi %sign3A_93, %sign3A_97 : vector<2048x16xi32>
    %sign3A_99 = arith.constant 0 : i32
    %sign3A_100 = arith.cmpi sgt, %jit3A_89, %sign3A_99 : i32
    %sign3A_101 = arith.extui %sign3A_100 : i1 to i32
    %sign3A_102 = arith.constant 0 : i32
    %sign3A_103 = arith.cmpi slt, %jit3A_89, %sign3A_102 : i32
    %sign3A_104 = arith.extui %sign3A_103 : i1 to i32
    %sign3A_105 = arith.subi %sign3A_101, %sign3A_104 : i32
    %ne3A = vector.broadcast %sign3A_105 : i32 to vector<2048x16xi32>
    %ne3A_106 = arith.cmpi ne, %sign3A_98, %ne3A : vector<2048x16xi32>
    %rem3A = vector.broadcast %jit3A_89 : i32 to vector<2048x16xi32>
    %rem3A_107 = arith.remsi %iota3A_88, %rem3A : vector<2048x16xi32>
    %ne3A_108 = arith.constant 0 : i32
    %ne3A_109 = vector.broadcast %ne3A_108 : i32 to vector<2048x16xi32>
    %ne3A_110 = arith.cmpi ne, %rem3A_107, %ne3A_109 : vector<2048x16xi32>
    %and3A = arith.andi %ne3A_106, %ne3A_110 : vector<2048x16xi1>
    %sub3A = arith.constant 1 : i32
    %sub3A_111 = vector.broadcast %sub3A : i32 to vector<2048x16xi32>
    %sub3A_112 = arith.subi %div3A_90, %sub3A_111 : vector<2048x16xi32>
    %select_n3A_113 = arith.select %and3A, %sub3A_112, %div3A_90 : vector<2048x16xi1>, vector<2048x16xi32>
    %iota3A_114 = tpu.iota {dimensions = array<i32: 1>} : vector<2048x16xi32>
    %eq3A_115 = arith.cmpi eq, %select_n3A_113, %iota3A_114 : vector<2048x16xi32>
    %convert_element_type3A_116 = arith.extui %eq3A_115 : vector<2048x16xi1> to vector<2048x16xi32>
    %convert_element_type3A_117 = arith.sitofp %convert_element_type3A_116 : vector<2048x16xi32> to vector<2048x16xf32>
    %dot_general3A_118 = arith.constant dense<0.000000e+00> : vector<2048x64xf32>
    %dot_general3A_119 = tpu.matmul %convert_element_type3A_117, %dot_general3A_87, %dot_general3A_118 {dimension_numbers = #tpu.dot_dimension_numbers<[1], [0], [0], [1], [0, 0, 1, 1], [], []>, transpose_lhs_hint = false} : vector<2048x16xf32>, vector<16x64xf32>, vector<2048x64xf32> -> vector<2048x64xf32>
    %add3A = arith.addf %concatenate3A, %dot_general3A_119 : vector<2048x64xf32>
    %mul3A = arith.mulf %add3A, %convert_element_type3A_13 : vector<2048x64xf32>
    %reduce_sum3A = arith.constant dense<0.000000e+00> : vector<2048xf32>
    %reduce_sum3A_120 = vector.multi_reduction <add>, %mul3A, %reduce_sum3A [1] : vector<2048x64xf32> to vector<2048xf32>
    %broadcast_in_dim3A_121 = vector.shape_cast %reduce_sum3A_120 : vector<2048xf32> to vector<2048x1xf32>
    %sub3A_122 = arith.constant 1.000000e+00 : f32
    %sub3A_123 = vector.broadcast %sub3A_122 : f32 to vector<2048x1xf32>
    %sub3A_124 = arith.subf %broadcast_in_dim3A_121, %sub3A_123 : vector<2048x1xf32>
    %add3A_125 = arith.constant 5.000000e-01 : f32
    %add3A_126 = vector.broadcast %add3A_125 : f32 to vector<2048x1xf32>
    %add3A_127 = arith.addf %sub3A_124, %add3A_126 : vector<2048x1xf32>
    %floor3A = math.floor %add3A_127 : vector<2048x1xf32>
    %iota3A_128 = tpu.iota {dimensions = array<i32: 0>} : vector<2048x1xi32>
    %convert_element_type3A_129 = arith.sitofp %iota3A_128 : vector<2048x1xi32> to vector<2048x1xf32>
    %iota3A_130 = tpu.iota {dimensions = array<i32: 1>} : vector<2048x128xi32>
    %convert_element_type3A_131 = arith.sitofp %iota3A_130 : vector<2048x128xi32> to vector<2048x128xf32>
    %eq3A_132 = vector.broadcast %floor3A : vector<2048x1xf32> to vector<2048x128xf32>
    %eq3A_133 = arith.cmpf oeq, %convert_element_type3A_131, %eq3A_132 : vector<2048x128xf32>
    %convert_element_type3A_134 = arith.extui %eq3A_133 : vector<2048x128xi1> to vector<2048x128xi32>
    %convert_element_type3A_135 = arith.sitofp %convert_element_type3A_134 : vector<2048x128xi32> to vector<2048x128xf32>
    %mul3A_136 = vector.broadcast %convert_element_type3A_129 : vector<2048x1xf32> to vector<2048x64xf32>
    %mul3A_137 = arith.mulf %convert_element_type3A_13, %mul3A_136 : vector<2048x64xf32>
    %dot_general3A_138 = arith.constant dense<0.000000e+00> : vector<64x128xf32>
    %dot_general3A_139 = tpu.matmul %mul3A_137, %convert_element_type3A_135, %dot_general3A_138 {dimension_numbers = #tpu.dot_dimension_numbers<[0], [0], [1], [1], [0, 1, 1, 1], [], []>, transpose_lhs_hint = false} : vector<2048x64xf32>, vector<2048x128xf32>, vector<64x128xf32> -> vector<64x128xf32>
    %dot_general3A_140 = arith.constant dense<0.000000e+00> : vector<64x128xf32>
    %dot_general3A_141 = tpu.matmul %convert_element_type3A_13, %convert_element_type3A_135, %dot_general3A_140 {dimension_numbers = #tpu.dot_dimension_numbers<[0], [0], [1], [1], [0, 1, 1, 1], [], []>, transpose_lhs_hint = false} : vector<2048x64xf32>, vector<2048x128xf32>, vector<64x128xf32> -> vector<64x128xf32>
    %add3A_142 = arith.constant 5.000000e-01 : f32
    %add3A_143 = vector.broadcast %add3A_142 : f32 to vector<64x128xf32>
    %add3A_144 = arith.addf %dot_general3A_141, %add3A_143 : vector<64x128xf32>
    %floor3A_145 = math.floor %add3A_144 : vector<64x128xf32>
    %iota3A_146 = tpu.iota {dimensions = array<i32: 0>} : vector<64x128xi32>
    %iota3A_147 = tpu.iota {dimensions = array<i32: 1>} : vector<64x128xi32>
    %mul3A_148 = arith.constant 128 : i32
    %mul3A_149 = vector.broadcast %mul3A_148 : i32 to vector<64x128xi32>
    %mul3A_150 = arith.muli %iota3A_146, %mul3A_149 : vector<64x128xi32>
    %add3A_151 = arith.addi %mul3A_150, %iota3A_147 : vector<64x128xi32>
    %jit3A_152 = arith.constant 2048 : i32
    %eq3A_153 = arith.constant 0 : i32
    %eq3A_154 = arith.cmpi eq, %jit3A_152, %eq3A_153 : i32
    %jit3A_155 = arith.constant 1 : i32
    %select_n3A_156 = arith.select %eq3A_154, %jit3A_155, %jit3A_152 : i32
    %rem3A_157 = vector.broadcast %select_n3A_156 : i32 to vector<64x128xi32>
    %rem3A_158 = arith.remsi %add3A_151, %rem3A_157 : vector<64x128xi32>
    %ne3A_159 = arith.constant 0 : i32
    %ne3A_160 = vector.broadcast %ne3A_159 : i32 to vector<64x128xi32>
    %ne3A_161 = arith.cmpi ne, %rem3A_158, %ne3A_160 : vector<64x128xi32>
    %lt3A_162 = arith.constant 0 : i32
    %lt3A_163 = vector.broadcast %lt3A_162 : i32 to vector<64x128xi32>
    %lt3A_164 = arith.cmpi slt, %rem3A_158, %lt3A_163 : vector<64x128xi32>
    %lt3A_165 = arith.constant 0 : i32
    %lt3A_166 = arith.cmpi slt, %select_n3A_156, %lt3A_165 : i32
    %ne3A_167 = vector.broadcast %lt3A_166 : i1 to vector<64x128xi1>
    %ne3A_168 = vector.broadcast %ne3A_167 : vector<64x128xi1> to vector<64x128xi1>
    %ne3A_169 = arith.xori %lt3A_164, %ne3A_168 : vector<64x128xi1>
    %and3A_170 = arith.andi %ne3A_169, %ne3A_161 : vector<64x128xi1>
    %add3A_171 = vector.broadcast %select_n3A_156 : i32 to vector<64x128xi32>
    %add3A_172 = arith.addi %rem3A_158, %add3A_171 : vector<64x128xi32>
    %select_n3A_173 = arith.select %and3A_170, %add3A_172, %rem3A_158 : vector<64x128xi1>, vector<64x128xi32>
    %convert_element_type3A_174 = arith.sitofp %select_n3A_173 : vector<64x128xi32> to vector<64x128xf32>
    %add3A_175 = arith.constant 5.000000e-01 : f32
    %add3A_176 = vector.broadcast %add3A_175 : f32 to vector<64x128xf32>
    %add3A_177 = arith.addf %dot_general3A_139, %add3A_176 : vector<64x128xf32>
    %floor3A_178 = math.floor %add3A_177 : vector<64x128xf32>
    %mul3A_179 = arith.mulf %floor3A_178, %floor3A_145 : vector<64x128xf32>
    %sub3A_180 = arith.constant 1.000000e+00 : f32
    %sub3A_181 = vector.broadcast %sub3A_180 : f32 to vector<64x128xf32>
    %sub3A_182 = arith.subf %sub3A_181, %floor3A_145 : vector<64x128xf32>
    %mul3A_183 = arith.mulf %convert_element_type3A_174, %sub3A_182 : vector<64x128xf32>
    %add3A_184 = arith.addf %mul3A_179, %mul3A_183 : vector<64x128xf32>
    %convert_element_type3A_185 = arith.fptosi %add3A_184 : vector<64x128xf32> to vector<64x128xi32>
    %swap3A = arith.constant 0 : index
    %swap3A_186 = arith.constant 0 : index
    %swap3A_187 = vector.load %arg2[%swap3A, %swap3A_186] : memref<64x128xi32, #tpu.memory_space<vmem>>, vector<64x128xi32>
    tpu.vector_store %arg2[%swap3A, %swap3A_186], %convert_element_type3A_185 {strides = array<i32>} : memref<64x128xi32, #tpu.memory_space<vmem>>, vector<64x128xi32>,
    %reduce_sum3A_188 = arith.constant dense<0.000000e+00> : vector<64xf32>
    %reduce_sum3A_189 = vector.multi_reduction <add>, %convert_element_type3A_13, %reduce_sum3A_188 [0] : vector<2048x64xf32> to vector<64xf32>
    %broadcast_in_dim3A_190 = vector.shape_cast %reduce_sum3A_189 : vector<64xf32> to vector<1x64xf32>
    %convert_element_type3A_191 = arith.fptosi %broadcast_in_dim3A_190 : vector<1x64xf32> to vector<1x64xi32>
    %swap3A_192 = arith.constant 0 : index
    %swap3A_193 = arith.constant 0 : index
    %swap3A_194 = vector.load %arg5[%swap3A_192, %swap3A_193] : memref<1x64xi32, #tpu.memory_space<vmem>>, vector<1x64xi32>
    tpu.vector_store %arg5[%swap3A_192, %swap3A_193], %convert_element_type3A_191 {strides = array<i32>} : memref<1x64xi32, #tpu.memory_space<vmem>>, vector<1x64xi32>,
    %broadcast_in_dim3A_195 = arith.constant 1.000000e+00 : f32
    %broadcast_in_dim3A_196 = vector.broadcast %broadcast_in_dim3A_195 : f32 to vector<2048x1xf32>
    %dot_general3A_197 = arith.constant dense<0.000000e+00> : vector<64x1xf32>
    %dot_general3A_198 = tpu.matmul %convert_element_type3A_13, %broadcast_in_dim3A_196, %dot_general3A_197 {dimension_numbers = #tpu.dot_dimension_numbers<[0], [0], [1], [1], [0, 1, 1, 1], [], []>, transpose_lhs_hint = false} : vector<2048x64xf32>, vector<2048x1xf32>, vector<64x1xf32> -> vector<64x1xf32>
    %iota3A_199 = tpu.iota {dimensions = array<i32: 0>} : vector<8192x1xi32>
    %jit3A_200 = arith.constant 128 : i32
    %div3A_201 = vector.broadcast %jit3A_200 : i32 to vector<8192x1xi32>
    %div3A_202 = arith.divsi %iota3A_199, %div3A_201 : vector<8192x1xi32>
    %sign3A_203 = arith.constant 0 : i32
    %sign3A_204 = vector.broadcast %sign3A_203 : i32 to vector<8192x1xi32>
    %sign3A_205 = arith.cmpi sgt, %iota3A_199, %sign3A_204 : vector<8192x1xi32>
    %sign3A_206 = arith.extui %sign3A_205 : vector<8192x1xi1> to vector<8192x1xi32>
    %sign3A_207 = arith.constant 0 : i32
    %sign3A_208 = vector.broadcast %sign3A_207 : i32 to vector<8192x1xi32>
    %sign3A_209 = arith.cmpi slt, %iota3A_199, %sign3A_208 : vector<8192x1xi32>
    %sign3A_210 = arith.extui %sign3A_209 : vector<8192x1xi1> to vector<8192x1xi32>
    %sign3A_211 = arith.subi %sign3A_206, %sign3A_210 : vector<8192x1xi32>
    %sign3A_212 = arith.constant 0 : i32
    %sign3A_213 = arith.cmpi sgt, %jit3A_200, %sign3A_212 : i32
    %sign3A_214 = arith.extui %sign3A_213 : i1 to i32
    %sign3A_215 = arith.constant 0 : i32
    %sign3A_216 = arith.cmpi slt, %jit3A_200, %sign3A_215 : i32
    %sign3A_217 = arith.extui %sign3A_216 : i1 to i32
    %sign3A_218 = arith.subi %sign3A_214, %sign3A_217 : i32
    %ne3A_219 = vector.broadcast %sign3A_218 : i32 to vector<8192x1xi32>
    %ne3A_220 = arith.cmpi ne, %sign3A_211, %ne3A_219 : vector<8192x1xi32>
    %rem3A_221 = vector.broadcast %jit3A_200 : i32 to vector<8192x1xi32>
    %rem3A_222 = arith.remsi %iota3A_199, %rem3A_221 : vector<8192x1xi32>
    %ne3A_223 = arith.constant 0 : i32
    %ne3A_224 = vector.broadcast %ne3A_223 : i32 to vector<8192x1xi32>
    %ne3A_225 = arith.cmpi ne, %rem3A_222, %ne3A_224 : vector<8192x1xi32>
    %and3A_226 = arith.andi %ne3A_220, %ne3A_225 : vector<8192x1xi1>
    %sub3A_227 = arith.constant 1 : i32
    %sub3A_228 = vector.broadcast %sub3A_227 : i32 to vector<8192x1xi32>
    %sub3A_229 = arith.subi %div3A_202, %sub3A_228 : vector<8192x1xi32>
    %select_n3A_230 = arith.select %and3A_226, %sub3A_229, %div3A_202 : vector<8192x1xi1>, vector<8192x1xi32>
    %convert_element_type3A_231 = arith.sitofp %select_n3A_230 : vector<8192x1xi32> to vector<8192x1xf32>
    %jit3A_232 = arith.constant 128 : i32
    %eq3A_233 = arith.constant 0 : i32
    %eq3A_234 = arith.cmpi eq, %jit3A_232, %eq3A_233 : i32
    %jit3A_235 = arith.constant 1 : i32
    %select_n3A_236 = arith.select %eq3A_234, %jit3A_235, %jit3A_232 : i32
    %rem3A_237 = vector.broadcast %select_n3A_236 : i32 to vector<8192x1xi32>
    %rem3A_238 = arith.remsi %iota3A_199, %rem3A_237 : vector<8192x1xi32>
    %ne3A_239 = arith.constant 0 : i32
    %ne3A_240 = vector.broadcast %ne3A_239 : i32 to vector<8192x1xi32>
    %ne3A_241 = arith.cmpi ne, %rem3A_238, %ne3A_240 : vector<8192x1xi32>
    %lt3A_242 = arith.constant 0 : i32
    %lt3A_243 = vector.broadcast %lt3A_242 : i32 to vector<8192x1xi32>
    %lt3A_244 = arith.cmpi slt, %rem3A_238, %lt3A_243 : vector<8192x1xi32>
    %lt3A_245 = arith.constant 0 : i32
    %lt3A_246 = arith.cmpi slt, %select_n3A_236, %lt3A_245 : i32
    %ne3A_247 = vector.broadcast %lt3A_246 : i1 to vector<8192x1xi1>
    %ne3A_248 = vector.broadcast %ne3A_247 : vector<8192x1xi1> to vector<8192x1xi1>
    %ne3A_249 = arith.xori %lt3A_244, %ne3A_248 : vector<8192x1xi1>
    %and3A_250 = arith.andi %ne3A_249, %ne3A_241 : vector<8192x1xi1>
    %add3A_251 = vector.broadcast %select_n3A_236 : i32 to vector<8192x1xi32>
    %add3A_252 = arith.addi %rem3A_238, %add3A_251 : vector<8192x1xi32>
    %select_n3A_253 = arith.select %and3A_250, %add3A_252, %rem3A_238 : vector<8192x1xi1>, vector<8192x1xi32>
    %convert_element_type3A_254 = arith.sitofp %select_n3A_253 : vector<8192x1xi32> to vector<8192x1xf32>
    %iota3A_255 = tpu.iota {dimensions = array<i32: 1>} : vector<8192x64xi32>
    %convert_element_type3A_256 = arith.sitofp %iota3A_255 : vector<8192x64xi32> to vector<8192x64xf32>
    %eq3A_257 = vector.broadcast %convert_element_type3A_231 : vector<8192x1xf32> to vector<8192x64xf32>
    %eq3A_258 = arith.cmpf oeq, %convert_element_type3A_256, %eq3A_257 : vector<8192x64xf32>
    %convert_element_type3A_259 = arith.extui %eq3A_258 : vector<8192x64xi1> to vector<8192x64xi32>
    %convert_element_type3A_260 = arith.sitofp %convert_element_type3A_259 : vector<8192x64xi32> to vector<8192x64xf32>
    %dot_general3A_261 = arith.constant dense<0.000000e+00> : vector<8192x1xf32>
    %dot_general3A_262 = tpu.matmul %convert_element_type3A_260, %dot_general3A_198, %dot_general3A_261 {dimension_numbers = #tpu.dot_dimension_numbers<[1], [0], [0], [1], [0, 0, 1, 1], [], []>, transpose_lhs_hint = false} : vector<8192x64xf32>, vector<64x1xf32>, vector<8192x1xf32> -> vector<8192x1xf32>
    %sub3A_263 = arith.constant 5.000000e-01 : f32
    %sub3A_264 = vector.broadcast %sub3A_263 : f32 to vector<8192x1xf32>
    %sub3A_265 = arith.subf %dot_general3A_262, %sub3A_264 : vector<8192x1xf32>
    %lt3A_266 = arith.cmpf olt, %convert_element_type3A_254, %sub3A_265 : vector<8192x1xf32>
    %convert_element_type3A_267 = arith.extui %lt3A_266 : vector<8192x1xi1> to vector<8192x1xi32>
    %convert_element_type3A_268 = arith.sitofp %convert_element_type3A_267 : vector<8192x1xi32> to vector<8192x1xf32>
    %swap3A_269 = arith.constant 0 : index
    %swap3A_270 = arith.constant 0 : index
    %swap3A_271 = vector.load %arg3[%swap3A_269, %swap3A_270] : memref<8192x1xf32, #tpu.memory_space<vmem>>, vector<8192x1xf32>
    tpu.vector_store %arg3[%swap3A_269, %swap3A_270], %convert_element_type3A_268 {strides = array<i32>} : memref<8192x1xf32, #tpu.memory_space<vmem>>, vector<8192x1xf32>,
    %iota3A_272 = tpu.iota {dimensions = array<i32: 1>} : vector<1x64xi32>
    %convert_element_type3A_273 = arith.sitofp %iota3A_272 : vector<1x64xi32> to vector<1x64xf32>
    %reduce_min3A_274 = vector.shape_cast %broadcast_in_dim3A_190 : vector<1x64xf32> to vector<1x1x64xf32>
    %reduce_min3A_275 = arith.constant dense<0x7F800000> : vector<1xf32>
    %reduce_min3A_276 = vector.multi_reduction <minimumf>, %reduce_min3A_274, %reduce_min3A_275 [1, 2] : vector<1x1x64xf32> to vector<1xf32>
    %reduce_min3A_277 = vector.shape_cast %reduce_min3A_276 : vector<1xf32> to vector<1x1x1xf32>
    %reduce_min3A_278 = vector.extract %reduce_min3A_277[0, 0, 0] : f32 from vector<1x1x1xf32>
    %eq3A_279 = vector.broadcast %reduce_min3A_278 : f32 to vector<1x64xf32>
    %eq3A_280 = arith.cmpf oeq, %broadcast_in_dim3A_190, %eq3A_279 : vector<1x64xf32>
    %jit3A_281 = arith.constant 6.400000e+01 : f32
    %broadcast_in_dim3A_282 = vector.broadcast %jit3A_281 : f32 to vector<1x64xf32>
    %select_n3A_283 = arith.select %eq3A_280, %convert_element_type3A_273, %broadcast_in_dim3A_282 : vector<1x64xi1>, vector<1x64xf32>
    %reduce_min3A_284 = vector.shape_cast %select_n3A_283 : vector<1x64xf32> to vector<1x1x64xf32>
    %reduce_min3A_285 = arith.constant dense<0x7F800000> : vector<1xf32>
    %reduce_min3A_286 = vector.multi_reduction <minimumf>, %reduce_min3A_284, %reduce_min3A_285 [1, 2] : vector<1x1x64xf32> to vector<1xf32>
    %reduce_min3A_287 = vector.shape_cast %reduce_min3A_286 : vector<1xf32> to vector<1x1x1xf32>
    %reduce_min3A_288 = vector.extract %reduce_min3A_287[0, 0, 0] : f32 from vector<1x1x1xf32>
    %lt3A_289 = arith.constant 1.280000e+02 : f32
    %lt3A_290 = vector.broadcast %lt3A_289 : f32 to vector<2048x1xf32>
    %lt3A_291 = arith.cmpf olt, %floor3A, %lt3A_290 : vector<2048x1xf32>
    %mul3A_292 = arith.constant 1.280000e+02 : f32
    %mul3A_293 = vector.broadcast %mul3A_292 : f32 to vector<2048x1xf32>
    %mul3A_294 = arith.mulf %broadcast_in_dim3A_10, %mul3A_293 : vector<2048x1xf32>
    %add3A_295 = arith.addf %mul3A_294, %floor3A : vector<2048x1xf32>
    %mul3A_296 = arith.constant 1.280000e+02 : f32
    %mul3A_297 = arith.mulf %reduce_min3A_288, %mul3A_296 : f32
    %add3A_298 = arith.constant 1.270000e+02 : f32
    %add3A_299 = arith.addf %mul3A_297, %add3A_298 : f32
    %broadcast_in_dim3A_300 = vector.broadcast %add3A_299 : f32 to vector<2048x1xf32>
    %select_n3A_301 = arith.select %lt3A_291, %add3A_295, %broadcast_in_dim3A_300 : vector<2048x1xi1>, vector<2048x1xf32>
    %add3A_302 = arith.constant 5.000000e-01 : f32
    %add3A_303 = vector.broadcast %add3A_302 : f32 to vector<2048x1xf32>
    %add3A_304 = arith.addf %select_n3A_301, %add3A_303 : vector<2048x1xf32>
    %floor3A_305 = math.floor %add3A_304 : vector<2048x1xf32>
    %convert_element_type3A_306 = arith.fptosi %floor3A_305 : vector<2048x1xf32> to vector<2048x1xi32>
    %swap3A_307 = arith.constant 0 : index
    %swap3A_308 = arith.constant 0 : index
    %swap3A_309 = vector.load %arg4[%swap3A_307, %swap3A_308] : memref<2048x1xi32, #tpu.memory_space<vmem>>, vector<2048x1xi32>
    tpu.vector_store %arg4[%swap3A_307, %swap3A_308], %convert_element_type3A_306 {strides = array<i32>} : memref<2048x1xi32, #tpu.memory_space<vmem>>, vector<2048x1xi32>,
    return
  }
}

module attributes {stable_mosaic.version = 14 : i64} {
  func.func @_mlp_body(%arg0: i32, %arg1: memref<128x1xf32, #tpu.memory_space<vmem>>, %arg2: memref<128x1024xf32, #tpu.memory_space<vmem>>, %arg3: memref<1x1024x1024xf32, #tpu.memory_space<vmem>>, %arg4: memref<1x1024x1024xf32, #tpu.memory_space<vmem>>, %arg5: memref<1x1024x1024xf32, #tpu.memory_space<vmem>>, %arg6: memref<128x1024xf32, #tpu.memory_space<vmem>>) attributes {dimension_semantics = [#tpu.dimension_semantics<arbitrary>], iteration_bounds = array<i64: 64>, scalar_prefetch = 0 : i64, scratch_operands = 0 : i64, tpu.core_type = #tpu.core_type<tc>, window_params = [{transform_indices = @transform_0, window_bounds = array<i64: 128, 1>}, {transform_indices = @transform_1, window_bounds = array<i64: 128, 1024>}, {transform_indices = @transform_2, window_bounds = array<i64: 1, 1024, 1024>}, {transform_indices = @transform_3, window_bounds = array<i64: 1, 1024, 1024>}, {transform_indices = @transform_4, window_bounds = array<i64: 1, 1024, 1024>}, {transform_indices = @transform_5, window_bounds = array<i64: 128, 1024>}]} {
    %get3A = arith.constant 0 : index
    %get3A_0 = arith.constant 0 : index
    %get3A_1 = vector.load %arg2[%get3A, %get3A_0] : memref<128x1024xf32, #tpu.memory_space<vmem>>, vector<128x1024xf32>
    %get3A_2 = arith.constant 0 : index
    %get3A_3 = arith.constant 0 : index
    %get3A_4 = arith.constant 0 : index
    %get3A_5 = vector.load %arg3[%get3A_2, %get3A_3, %get3A_4] : memref<1x1024x1024xf32, #tpu.memory_space<vmem>>, vector<1x1024x1024xf32>
    %get3A_6 = vector.shape_cast %get3A_5 : vector<1x1024x1024xf32> to vector<1024x1024xf32>
    %get3A_7 = arith.constant 0 : index
    %get3A_8 = arith.constant 0 : index
    %get3A_9 = arith.constant 0 : index
    %get3A_10 = vector.load %arg4[%get3A_7, %get3A_8, %get3A_9] : memref<1x1024x1024xf32, #tpu.memory_space<vmem>>, vector<1x1024x1024xf32>
    %get3A_11 = vector.shape_cast %get3A_10 : vector<1x1024x1024xf32> to vector<1024x1024xf32>
    %get3A_12 = arith.constant 0 : index
    %get3A_13 = arith.constant 0 : index
    %get3A_14 = arith.constant 0 : index
    %get3A_15 = vector.load %arg5[%get3A_12, %get3A_13, %get3A_14] : memref<1x1024x1024xf32, #tpu.memory_space<vmem>>, vector<1x1024x1024xf32>
    %get3A_16 = vector.shape_cast %get3A_15 : vector<1x1024x1024xf32> to vector<1024x1024xf32>
    %dot_general3A = arith.constant dense<0.000000e+00> : vector<128x1024xf32>
    %dot_general3A_17 = tpu.matmul %get3A_1, %get3A_6, %dot_general3A {dimension_numbers = #tpu.dot_dimension_numbers<[1], [1], [0], [0], [0, 0, 1, 0], [], []>, transpose_lhs_hint = false} : vector<128x1024xf32>, vector<1024x1024xf32>, vector<128x1024xf32> -> vector<128x1024xf32>
    %dot_general3A_18 = arith.constant dense<0.000000e+00> : vector<128x1024xf32>
    %dot_general3A_19 = tpu.matmul %get3A_1, %get3A_11, %dot_general3A_18 {dimension_numbers = #tpu.dot_dimension_numbers<[1], [1], [0], [0], [0, 0, 1, 0], [], []>, transpose_lhs_hint = false} : vector<128x1024xf32>, vector<1024x1024xf32>, vector<128x1024xf32> -> vector<128x1024xf32>
    %neg3A = arith.constant 0.000000e+00 : f32
    %neg3A_20 = vector.broadcast %neg3A : f32 to vector<128x1024xf32>
    %neg3A_21 = arith.subf %neg3A_20, %dot_general3A_17 : vector<128x1024xf32>
    %exp3A = math.exp %neg3A_21 : vector<128x1024xf32>
    %add3A = arith.constant 1.000000e+00 : f32
    %add3A_22 = vector.broadcast %add3A : f32 to vector<128x1024xf32>
    %add3A_23 = arith.addf %add3A_22, %exp3A : vector<128x1024xf32>
    %div3A = arith.constant 1.000000e+00 : f32
    %div3A_24 = vector.broadcast %div3A : f32 to vector<128x1024xf32>
    %div3A_25 = arith.divf %div3A_24, %add3A_23 : vector<128x1024xf32>
    %mul3A = arith.mulf %dot_general3A_17, %div3A_25 : vector<128x1024xf32>
    %mul3A_26 = arith.mulf %mul3A, %dot_general3A_19 : vector<128x1024xf32>
    %dot_general3A_27 = arith.constant dense<0.000000e+00> : vector<128x1024xf32>
    %dot_general3A_28 = tpu.matmul %mul3A_26, %get3A_16, %dot_general3A_27 {dimension_numbers = #tpu.dot_dimension_numbers<[1], [1], [0], [0], [0, 0, 1, 0], [], []>, transpose_lhs_hint = false} : vector<128x1024xf32>, vector<1024x1024xf32>, vector<128x1024xf32> -> vector<128x1024xf32>
    %get3A_29 = arith.constant 0 : index
    %get3A_30 = arith.constant 0 : index
    %get3A_31 = vector.load %arg1[%get3A_29, %get3A_30] : memref<128x1xf32, #tpu.memory_space<vmem>>, vector<128x1xf32>
    %gt3A = arith.constant 5.000000e-01 : f32
    %gt3A_32 = vector.broadcast %gt3A : f32 to vector<128x1xf32>
    %gt3A_33 = arith.cmpf ogt, %get3A_31, %gt3A_32 : vector<128x1xf32>
    %jit3A = arith.constant 0.000000e+00 : f32
    %broadcast_in_dim3A = vector.shape_cast %gt3A_33 : vector<128x1xi1> to vector<128x1xi1>
    %broadcast_in_dim3A_34 = vector.broadcast %broadcast_in_dim3A : vector<128x1xi1> to vector<128x1024xi1>
    %broadcast_in_dim3A_35 = vector.broadcast %jit3A : f32 to vector<128x1024xf32>
    %select_n3A = arith.select %broadcast_in_dim3A_34, %dot_general3A_28, %broadcast_in_dim3A_35 : vector<128x1024xi1>, vector<128x1024xf32>
    %swap3A = arith.constant 0 : index
    %swap3A_36 = arith.constant 0 : index
    %swap3A_37 = vector.load %arg6[%swap3A, %swap3A_36] : memref<128x1024xf32, #tpu.memory_space<vmem>>, vector<128x1024xf32>
    tpu.vector_store %arg6[%swap3A, %swap3A_36], %select_n3A {strides = array<i32>} : memref<128x1024xf32, #tpu.memory_space<vmem>>, vector<128x1024xf32>,
    return
  }
  func.func @transform_0(%arg0: i32) -> (i32, i32) {
    %c0_i32 = arith.constant 0 : i32
    %c0_i32_0 = arith.constant 0 : i32
    return %arg0, %c0_i32 : i32, i32
  }
  func.func @transform_1(%arg0: i32) -> (i32, i32) {
    %c0_i32 = arith.constant 0 : i32
    %c0_i32_0 = arith.constant 0 : i32
    return %arg0, %c0_i32 : i32, i32
  }
  func.func @transform_2(%arg0: i32) -> (i32, i32, i32) {
    %c0_i32 = arith.constant 0 : i32
    %c0_i32_0 = arith.constant 0 : i32
    %c0_i32_1 = arith.constant 0 : i32
    return %arg0, %c0_i32, %c0_i32_0 : i32, i32, i32
  }
  func.func @transform_3(%arg0: i32) -> (i32, i32, i32) {
    %c0_i32 = arith.constant 0 : i32
    %c0_i32_0 = arith.constant 0 : i32
    %c0_i32_1 = arith.constant 0 : i32
    return %arg0, %c0_i32, %c0_i32_0 : i32, i32, i32
  }
  func.func @transform_4(%arg0: i32) -> (i32, i32, i32) {
    %c0_i32 = arith.constant 0 : i32
    %c0_i32_0 = arith.constant 0 : i32
    %c0_i32_1 = arith.constant 0 : i32
    return %arg0, %c0_i32, %c0_i32_0 : i32, i32, i32
  }
  func.func @transform_5(%arg0: i32) -> (i32, i32) {
    %c0_i32 = arith.constant 0 : i32
    %c0_i32_0 = arith.constant 0 : i32
    return %arg0, %c0_i32 : i32, i32
  }
}

</mosaic_0001>

<sc_bundles>
// kernel: kernel.6.cloned.1.call-start
scs
__scs_entry_jumppad:
0x0: {  	(pc) =	sbr.rel $0x88, $3  }
0x1: {  	(tag) =	ssettag $0x0;
	lr =	simm.s32 $0x1  }
0x2: {  	[smem:$0x3F9C] =	sst lr;
	_ =	strace $0xD0000000  }
0x3: {  	_ = 	snop  }
0x4: {  	_ = 	snop  }
0x5: {  	_ = 	snop  }
0x6: {  	_ = 	snop  }
0x7: {  	_ = 	snop  }
__scs_overlays_trampoline_lowered:
0x8: {  	[smem:$0x3FAB] =	sst s0  }
0x9: {  	[smem:$0x3FAC] =	sst s1  }
0xa: {  	[smem:$0x3FAD] =	sst s2  }
0xb: {  	[smem:$0x3FAE] =	sst s3  }
0xc: {  	[smem:$0x3FAF] =	sst s4  }
0xd: {  	[smem:$0x3FB0] =	sst s5  }
0xe: {  	[smem:$0x3FB1] =	sst s6  }
0xf: {  	[smem:$0x3FB2] =	sst s7  }
0x10: {  	[smem:$0x3FB3] =	sst s8  }
0x11: {  	[smem:$0x3FB4] =	sst s9;
	s0 =	simm.s32 @!p0 $0x0  }
0x12: {  	s1 =	sld [smem:$0x3F9A];
	s0 =	simm.s32 @p0 $0x1  }
0x13: {  	[smem:$0x3FB5] =	sst s0;
	s0 =	simm.s32 @!p1 $0x0  }
0x14: {  	s2 =	sld [smem:$0x3F99];
	s0 =	simm.s32 @p1 $0x1  }
0x15: {  	[smem:$0x3FB6] =	sst s0;
	s0 =	simm.s32 @!p2 $0x0  }
0x16: {  	s3 =	sld [smem:$0x3FDB];
	s0 =	simm.s32 @p2 $0x1  }
0x17: {  	s4 =	simm.s32 $0x1BF5;
	[smem:$0x3FB8] =	sst s0  }
0x18: {  	s0 =	sld [smem:$0x3F9B];
	_ =	swait.ge [sflag:s4], $0x0  }
0x19: {  	s7 =	sld [smem:$0x3F9C]  }
0x1a: {  	s8 =	sadd.s32 $0xFFFFE003, lr  }
0x1b: {  	s9 =	sadd.s32 $0xFFFFFEF7, lr;
	s5 =	simm.s32 $0xFFFFFFFF;
	p2 =	slt.u32 s8, $0xFFFFF086  }
0x1c: {  	p1 =	slt.u32 s9, $0xF7A;
	s5 =	simm.s32 @!p2 $0x0  }
0x1d: {  	s5 =	simm.s32 @p1 $0x1;
	p0 =	seq.s32 s7, s2  }
0x1e: {  	s7 =	smul.u32 @!p0 $0xF7A, s2;
	p2 =	seq.s32 @!p0 s5, $0x0  }
0x1f: {  	s9 =	smul.u32 $0xF7A, s1;
	s8 =	simm.s32 @!p0 $0x1BF5;
	p2 =	por !p2, p0  }
0x20: {  	[sflag:s8] =	ssyncset.s32 @!p0 $0xFFFFF086;
	s6 =	sadd.s32 @!p0 s3, s7;
	s7 =	simm.s32 @!p0 $0x108  }
0x21: {  	s3 =	sadd.s32 s3, s9;
	s6 =	sadd.s32 @!p0 $0x88, s6;
	s7 =	simm.s32 @p2 $0x1082  }
0x22: {  	[simem:s7], [sflag:s8] =	dma.local @!p0 [hbm:s6], $0xF7A  }
0x23: {  	s9 =	sor.u32 $0xD0000000, s2;
	s6 =	simm.s32 $0x108;
	_ =	swait.ge @!p0 [sflag:s8], $0x0  }
0x24: {  	s3 =	sadd.s32 $0x88, s3;
	s6 =	simm.s32 @!p1 $0x1082;
	[sflag:s4] =	ssyncset.s32 $0xFFFFF086  }
0x25: {  	[simem:s6], [sflag:s4] =	dma.local [hbm:s3], $0xF7A  }
0x26: {  	[smem:$0x3F9C] =	sst s1;
	(tag) =	ssettag s2;
	_ =	strace s9  }
0x27: {  	s1 =	sld [smem:$0x3FAC]  }
0x28: {  	s2 =	sld [smem:$0x3FAD]  }
0x29: {  	s4 =	sld [smem:$0x3FAF]  }
0x2a: {  	p0 =	seq.s32 s5, $0x0;
	s5 =	sld [smem:$0x3FB0]  }
0x2b: {  	s6 =	sld [smem:$0x3FB1]  }
0x2c: {  	s7 =	sld [smem:$0x3FB2]  }
0x2d: {  	s3 =	simm.s32 $0x108;
	s8 =	sld [smem:$0x3FB3]  }
0x2e: {  	s3 =	simm.s32 @!p0 $0x1082;
	s9 =	sld [smem:$0x3FB4]  }
0x2f: {  	lr =	sadd.s32 s0, s3;
	s0 =	sld [smem:$0x3FAB]  }
0x30: {  	s3 =	sld [smem:$0x3FAE]  }
0x31: {  	[smem:$0x3FB7] =	sst s10  }
0x32: {  	s10 =	sld [smem:$0x3FB5];
	_ =	sdelay $0x3  }
0x33: {  	p0 =	seq.s32 s10, $0x1;
	s10 =	sld [smem:$0x3FB7];
	_ =	sdelay $0x3  }
0x34: {  	[smem:$0x3FB7] =	sst s10  }
0x35: {  	s10 =	sld [smem:$0x3FB6];
	_ =	sdelay $0x3  }
0x36: {  	p1 =	seq.s32 s10, $0x1;
	s10 =	sld [smem:$0x3FB7];
	_ =	sdelay $0x3  }
0x37: {  	[smem:$0x3FB7] =	sst s10  }
0x38: {  	s10 =	sld [smem:$0x3FB8]  }
0x39: {  	_ = 	snop;
	(pc) =	sbr.ind lr, $3  }
0x3a: {  	_ = 	snop  }
0x3b: {  	_ = 	snop  }
0x3c: {  	p2 =	seq.s32 s10, $0x1;
	s10 =	sld [smem:$0x3FB7]  }
0x3d: {  	_ =	shalt  }
0x3e: {  	_ =	shalt  }
0x3f: {  	_ =	shalt  }
0x40: {  	_ =	shalt  }
0x41: {  	_ =	shalt  }
0x42: {  	_ =	shalt  }
0x43: {  	_ =	shalt  }
0x44: {  	_ =	shalt  }
0x45: {  	_ =	shalt  }
0x46: {  	_ =	shalt  }
0x47: {  	_ =	shalt  }
0x48: {  	_ =	shalt  }
0x49: {  	_ =	shalt  }
0x4a: {  	_ =	shalt  }
0x4b: {  	_ =	shalt  }
0x4c: {  	_ =	shalt  }
0x4d: {  	_ =	shalt  }
0x4e: {  	_ =	shalt  }
0x4f: {  	_ =	shalt  }
0x50: {  	_ =	shalt  }
0x51: {  	_ =	shalt  }
0x52: {  	_ =	shalt  }
0x53: {  	_ =	shalt  }
0x54: {  	_ =	shalt  }
0x55: {  	_ =	shalt  }
0x56: {  	_ =	shalt  }
0x57: {  	_ =	shalt  }
0x58: {  	_ =	shalt  }
0x59: {  	_ =	shalt  }
0x5a: {  	_ =	shalt  }
0x5b: {  	_ =	shalt  }
0x5c: {  	_ =	shalt  }
0x5d: {  	_ =	shalt  }
0x5e: {  	_ =	shalt  }
0x5f: {  	_ =	shalt  }
0x60: {  	_ =	shalt  }
0x61: {  	_ =	shalt  }
0x62: {  	_ =	shalt  }
0x63: {  	_ =	shalt  }
0x64: {  	_ =	shalt  }
0x65: {  	_ =	shalt  }
0x66: {  	_ =	shalt  }
0x67: {  	_ =	shalt  }
0x68: {  	_ =	shalt  }
0x69: {  	_ =	shalt  }
0x6a: {  	_ =	shalt  }
0x6b: {  	_ =	shalt  }
0x6c: {  	_ =	shalt  }
0x6d: {  	_ =	shalt  }
0x6e: {  	_ =	shalt  }
0x6f: {  	_ =	shalt  }
0x70: {  	_ =	shalt  }
0x71: {  	_ =	shalt  }
0x72: {  	_ =	shalt  }
0x73: {  	_ =	shalt  }
0x74: {  	_ =	shalt  }
0x75: {  	_ =	shalt  }
0x76: {  	_ =	shalt  }
0x77: {  	_ =	shalt  }
0x78: {  	_ =	shalt  }
0x79: {  	_ =	shalt  }
0x7a: {  	_ =	shalt  }
0x7b: {  	_ =	shalt  }
0x7c: {  	_ =	shalt  }
0x7d: {  	_ =	shalt  }
0x7e: {  	_ =	shalt  }
0x7f: {  	_ =	shalt  }
0x80: {  	_ =	shalt  }
0x81: {  	_ =	shalt  }
0x82: {  	_ =	shalt  }
0x83: {  	_ =	shalt  }
0x84: {  	_ =	shalt  }
0x85: {  	_ =	shalt  }
0x86: {  	_ =	shalt  }
0x87: {  	_ =	shalt  }
.Lfunc_end0:
.L_simem_size_0:
called_computation_lowered:
.L_overlay_start_0:
0x88: {  	s2 =	sld [smem:$0x3FD9]  }
0x89: {  	s3 =	sld [smem:$0x3FFE];
	_ =	sdelay $0x1  }
0x8a: {  	s1 =	srdreg.scid  }
0x8b: {  	s0 =	sand.u32 $0x1, s1  }
0x8c: {  	s17 =	sshll.u32 s0, $0xA;
	s2 =	sadd.s32 s3, s2  }
0x8d: {  	s2 =	sadd.s32 s2, s17  }
0x8e: {  	[smem:$0x3FC3] =	sst s2  }
0x8f: {  	_ = 	snop  }
0x90: {  	s2 =	sld [smem:$0x3FC9]  }
0x91: {  	s18 =	sld [smem:$0x3FD0];
	(tm) =	ssettm $0x1  }
0x92: {  	s4 =	sld [smem:$0x3FFB];
	_ =	sdelay $0x3  }
0x93: {  	_ =	strace s4  }
0x94: {  	s4 =	sld [smem:$0x3FFC];
	_ =	sdelay $0x3  }
0x95: {  	_ =	strace s4  }
0x96: {  	s4 =	sld [smem:$0x3FFD];
	_ =	sdelay $0x3  }
0x97: {  	_ =	strace s4  }
0x98: {  	_ =	strace $0x8FFFFFFF  }
0x99: {  	s19 =	sld [smem:$0x3FDB];
	_ =	sdelay $0x1  }
0x9a: {  	s5 =	simm.s32 $_scs_section_size  }
0x9b: {  	s6 =	simm.s32 $_size__tile_overlayer_lowered;
	s7 =	simm.s32 $_tile_overlayer_lowered  }
0x9c: {  	s22 =	simm.s32 $0x1BFF;
	s21 =	sshll.u32 s7, $0x1;
	s4 =	sadd.s32 s5, s19  }
0x9d: {  	s8 =	simm.s32 $0x0;
	s20 =	sshll.u32 s6, $0x1;
	s6 =	sadd.s32 s21, s4  }
0x9e: {  	[timem:s8], [sflag:s22] =	dma.local [hbm:s6], s20  }
0x9f: {  	_ =	swait.ge [sflag:s22], s20  }
0xa0: {  	s5 =	ssub.s32 $0x0, s20;
	[sflag:s22] =	ssyncset.done $0x0  }
0xa1: {  	[sflag:s22] =	ssyncadd.s32 s5;
	_ =	sdelay $0x1  }
0xa2: {  	s23 =	simm.s32 $0x1B8B  }
0xa3: {  	_ =	swait.ge [sflag:s23], $0x1  }
0xa4: {  	[sflag:s23] =	ssyncset.done $0x0  }
0xa5: {  	s25 =	simm.s32 $0x1B8E;
	s24 =	sld [smem:$0x3FFE];
	[sflag:s23] =	ssyncadd.s32 $0xFFFFFFFF  }
0xa6: {  	s26 =	simm.s32 $execute0_lowered;
	[smem:$0x3FD2] =	sst s25  }
0xa7: {  	s6 =	sshll.u32 s26, $0x1;
	_ =	strace $0x80000046;
	[dreg:$0x1] =	wrdreg $0xFFFFFFFF  }
0xa8: {  	s28 =	simm.s32 $_size_execute0_lowered;
	s4 =	sadd.s32 s4, s6;
	[dreg:$0x0] =	wrdreg $0x0  }
0xa9: {  	s6 =	sshll.u32 s28, $0x1;
	[dreg:$0x2] =	wrdreg s4  }
0xaa: {  	[dreg:$0x3] =	wrdreg s6  }
0xab: {  	[dreg:$0x4] =	wrdreg $0xC0  }
0xac: {  	_ =	task [dreg:s8], $0x5FFFF  }
0xad: {  	[dreg:$0x1] =	wrdreg $0xFFFFFFFF  }
0xae: {  	[dreg:$0x0] =	wrdreg $0x60  }
0xaf: {  	[dreg:$0x2] =	wrdreg s2  }
0xb0: {  	[dreg:$0x3] =	wrdreg s18  }
0xb1: {  	[dreg:$0x4] =	wrdreg s24  }
0xb2: {  	[dreg:$0x5] =	wrdreg $0x9  }
0xb3: {  	_ =	task.clear_ibuf [dreg:s8], $0x6FFFF;
	_ =	strace $0x90000046  }
0xb4: {  	s29 =	simm.s32 $0x9;
	_ =	strace $0x80000048  }
0xb5: {  	_ =	swait.ge [sflag:s29], $0x1  }
0xb6: {  	[sflag:s29] =	ssyncadd.s32 $0xFFFFFFFF  }
0xb7: {  	_ =	strace $0x90000048  }
0xb8: {  	_ =	sfence  }
0xb9: {  	s30 =	sld [smem:$0x0];
	_ =	sdelay $0x2  }
0xba: {  	s31 =	sshll.u32 s1, $0xD;
	s1 =	sshrl.u32 s1, $0x2  }
0xbb: {  	s3 =	sand.u32 $0x4000, s31;
	s1 =	sadd.s32 s1, s30  }
0xbc: {  	s0 =	sor.u32 s3, s0;
	s1 =	sshll.u32 s1, $0x11  }
0xbd: {  	s0 =	sor.u32 s1, s0  }
0xbe: {  	s0 =	sadd.s32 $0x8F2B, s0  }
0xbf: {  	[sflag:s0] =	ssyncadd.remote.s32 $0x1  }
0xc0: {  	_ =	sfence.sel $0xFFFF  }
0xc1: {  	[dreg:$0x0] =	wrdreg $0xFFFFFFFF;
	(pc) =	sbr.abs _section_cstart, $3  }
0xc2: {  	[dreg:$0x1] =	wrdreg $0xFFFFFFFF  }
0xc3: {  	_ =	task.clear_ibuf [dreg:s8], $0x2FFFF;
	_ =	strace $0x9FFFFFFF  }
0xc4: {  	(tm) =	ssettm $0x7FFFFFFF  }
0xc5: {  	_ =	shalt  }
tec
execute0_lowered:
.L_overlay_start_1:
0x0: {  	(tag) =	ssettag $0x1  }
0x1: {  	s1 =	rddreg [dreg:$0x0]  }
0x2: {  	s0 =	rddreg [dreg:$0x1]  }
0x3: {  	s2 =	rddreg [dreg:$0x2]  }
0x4: {  	s3 =	simm.s32 $0x0;
	s4 =	srdreg.scid;
	s5 =	stileid.u32  }
0x5: {  	s19 =	simm.s32 $0x2;
	s21 =	simm.s32 $0x100;
	s30 =	simm.s32 $0x4100  }
0x6: {  	s31 =	simm.s32 $0x4900;
	s20 =	simm.s32 $0x6100;
	s22 =	simm.s32 $0x6900  }
0x7: {  	s23 =	simm.s32 $0x7100;
	s24 =	simm.s32 $0x7900;
	s25 =	simm.s32 $0x1  }
0x8: {  	[smem:$0x7FF] =	sst s3;
	s4 =	sand.u32 $0x1, s4;
	s5 =	sshll.u32 s5, $0x1  }
0x9: {  	s9 =	sadd.s32 $0x300, s1;
	_ =	strace $0x80000047;
	s6 =	sor.u32 s4, s5  }
0xa: {  	s26 =	ssub.s32 $0x2, s4;
	s4 =	sadd.s32 $0xE00, s2;
	s7 =	sshll.u32 s6, $0xF  }
0xb: {  	s8 =	sshrl.u32 s26, $0x1;
	s28 =	sshll.u32 s6, $0x5;
	s6 =	sshll.u32 s6, $0x1  }
0xc: {  	s2 =	sadd.s32 s7, s2;
	s18 =	ssub.s32 s26, s8;
	s5 =	sadd.s32 s0, s28  }
.Ltmp0:
0xd: {  	s7 =	sadd.s32 $0x100, s1;
	s8 =	sadd.s32 $0x200, s1;
	(pc) =	sbr.rel .LBB2_1-.Ltmp0, $4  }
0xe: {  	s0 =	simm.s32 $0x5100;
	s10 =	sadd.s32 $0x1000, s2;
	s11 =	sadd.s32 $0x2000, s2  }
0xf: {  	v2 =	vlaneseq.u32;
	s12 =	sadd.s32 $0x3000, s2;
	s29 =	sadd.s32 $0x4000, s2;
	s14 =	sadd.s32 $0x5000, s2  }
0x10: {  	vm0 =	vmmov $0xffff;
	v1 =	vshrl.u32 v2, $0x3;
	s15 =	sadd.s32 $0x6000, s2;
	s16 =	sadd.s32 $0x7000, s2;
	s17 =	sadd.s32 $0x8000, s2  }
0x11: {  	v0 =	vand.u32 $0x7, v2;
	v2 =	vor.u32 $0x8, v2;
	v1 =	vmul.u32 $0x8, v1;
	s18 =	smax.u32 s18, $0x1;
	s2 =	simm.s32 $0x5900;
	[dreg:$0x4] =	wrdreg s29  }
.LBB2_5:
0x12: {  	s18 =	sadd.s32 $0xFFFFFFFF, s18  }
0x13: {  	p0 =	sne.s32 s18, $0x0  }
.Ltmp1:
0x14: {  	_ = 	snop;
	(pc) =	sbr.rel @!p0 .LBB2_6-.Ltmp1, $1  }
0x15: {  	_ =	sdelay $0x3  }
.LBB2_1:
0x16: {  	[tilespmem:s3], [sflag:$0x2] =	stream.linear.gather [hbm4b:s5+s3], $0x100, $0x38;
	[tilespmem:$0x8180] =	vst v63  }
0x17: {  	_ =	swait.ge [sflag:s19], $0x100  }
0x18: {  	[sflag:s19] =	ssyncset.done $0x0  }
0x19: {  	s13 =	simm.s32 $0x8100;
	[sflag:s19] =	ssyncadd.s32 $0xFFFFFF00  }
0x1a: {  	[tilespmem:s13], [sflag:$0x2] =	stream.linear.gather [hbm4b:s4+s3], $0x40, $0x38;
	[tilespmem:$0x8180] =	vst v63  }
0x1b: {  	_ =	swait.ge [sflag:s19], $0x40  }
0x1c: {  	[sflag:s19] =	ssyncset.done $0x0  }
0x1d: {  	[sflag:s19] =	ssyncadd.s32 $0xFFFFFFC0  }
0x1e: {  	v3 =	vld [tilespmem:s6+$0x8100];
	_ =	sdelay $0x4  }
0x1f: {  	(v2sf) =	vpush v3, $0x0;
	_ =	sdelay $0xe  }
0x20: {  	s26 =	spop (v2sf)  }
0x21: {  	p0 =	slt.s32 s26, $0x1  }
0x22: {  	v3 =	vld @!p0 [tilespmem:$0x0];
	_ =	sdelay $0x4  }
0x23: {  	v4 =	vshll.u32 @!p0 v3, $0x3  }
0x24: {  	v5 =	vlaneseq.u32 @!p0;
	v3 =	vand.u32 @!p0 $0x7, v3;
	v4 =	vand.u32 @!p0 $0xFFFFFFC0, v4  }
0x25: {  	v6 =	vshrl.u32 @!p0 v5, $0x3;
	v3 =	vor.u32 @!p0 v3, v4;
	v4 =	vand.u32 @!p0 $0x7, v5  }
0x26: {  	v6 =	vmul.u32 @!p0 $0x8, v6;
	v7 =	vperm.xlane @!p0 v3, v4;
	_ =	sdelay $0x1  }
0x27: {  	v7 =	vadd.s32 @!p0 v6, v7;
	_ =	sdelay $0x3  }
0x28: {  	vm1 =	vmmov @!p0 $0xffff;
	s28 =	simm.s32 @!p0 $0x0;
	s29 =	simm.s32 @!p0 $0x100  }
0x29: {  	v5 =	vor.u32 @!p0 $0x8, v5;
	[tilespmem:s29], [sflag:$0x1] =	stream.indirect_vreg.gather @!p0 [hbm4b:s1+s28], $0x80, v7, vm1, $0xb8;
	[tilespmem:$0x8180] =	vst v63  }
0x2a: {  	s13 =	simm.s32 @!p0 $0x900;
	v3 =	vperm.xlane @!p0 v3, v5  }
0x2b: {  	[tilespmem:s13], [sflag:$0x1] =	stream.indirect_vreg.gather @!p0 [hbm4b:s7+s28], $0x80, v7, vm1, $0xb8;
	[tilespmem:$0x8180] =	vst v63  }
0x2c: {  	v3 =	vadd.s32 @!p0 v6, v3;
	s13 =	simm.s32 @!p0 $0x1100  }
0x2d: {  	[tilespmem:s13], [sflag:$0x1] =	stream.indirect_vreg.gather @!p0 [hbm4b:s8+s28], $0x80, v7, vm1, $0xb8;
	[tilespmem:$0x8180] =	vst v63  }
0x2e: {  	s13 =	simm.s32 @!p0 $0x1900  }
0x2f: {  	[tilespmem:s13], [sflag:$0x1] =	stream.indirect_vreg.gather @!p0 [hbm4b:s9+s28], $0x80, v7, vm1, $0xb8;
	[tilespmem:$0x8180] =	vst v63  }
0x30: {  	s13 =	simm.s32 @!p0 $0x2100  }
0x31: {  	[tilespmem:s13], [sflag:$0x1] =	stream.indirect_vreg.gather @!p0 [hbm4b:s1+s28], $0x80, v3, vm1, $0xb8;
	[tilespmem:$0x8180] =	vst v63  }
0x32: {  	s13 =	simm.s32 @!p0 $0x2900  }
0x33: {  	[tilespmem:s13], [sflag:$0x1] =	stream.indirect_vreg.gather @!p0 [hbm4b:s7+s28], $0x80, v3, vm1, $0xb8;
	[tilespmem:$0x8180] =	vst v63  }
0x34: {  	s13 =	simm.s32 @!p0 $0x3100  }
0x35: {  	[tilespmem:s13], [sflag:$0x1] =	stream.indirect_vreg.gather @!p0 [hbm4b:s8+s28], $0x80, v3, vm1, $0xb8;
	[tilespmem:$0x8180] =	vst v63  }
0x36: {  	s13 =	simm.s32 @!p0 $0x3900  }
0x37: {  	[tilespmem:s13], [sflag:$0x1] =	stream.indirect_vreg.gather @!p0 [hbm4b:s9+s28], $0x80, v3, vm1, $0xb8;
	[tilespmem:$0x8180] =	vst v63  }
0x38: {  	v3 =	vld @!p0 [tilespmem:$0x10];
	_ =	sdelay $0x4  }
0x39: {  	v7 =	vshll.u32 @!p0 v3, $0x3  }
0x3a: {  	v3 =	vand.u32 @!p0 $0x7, v3;
	v7 =	vand.u32 @!p0 $0xFFFFFFC0, v7  }
0x3b: {  	v3 =	vor.u32 @!p0 v3, v7  }
0x3c: {  	v4 =	vperm.xlane @!p0 v3, v4;
	_ =	sdelay $0x1  }
0x3d: {  	v4 =	vadd.s32 @!p0 v6, v4;
	_ =	sdelay $0x3  }
0x3e: {  	s13 =	simm.s32 @!p0 $0x4100  }
0x3f: {  	[tilespmem:s13], [sflag:$0x1] =	stream.indirect_vreg.gather @!p0 [hbm4b:s1+s28], $0x80, v4, vm1, $0xb8;
	[tilespmem:$0x8180] =	vst v63  }
0x40: {  	v3 =	vperm.xlane @!p0 v3, v5;
	s13 =	simm.s32 @!p0 $0x4900  }
0x41: {  	[tilespmem:s13], [sflag:$0x1] =	stream.indirect_vreg.gather @!p0 [hbm4b:s7+s28], $0x80, v4, vm1, $0xb8;
	[tilespmem:$0x8180] =	vst v63  }
0x42: {  	v3 =	vadd.s32 @!p0 v6, v3;
	s13 =	simm.s32 @!p0 $0x5100  }
0x43: {  	[tilespmem:s13], [sflag:$0x1] =	stream.indirect_vreg.gather @!p0 [hbm4b:s8+s28], $0x80, v4, vm1, $0xb8;
	[tilespmem:$0x8180] =	vst v63  }
0x44: {  	s13 =	simm.s32 @!p0 $0x5900  }
0x45: {  	[tilespmem:s13], [sflag:$0x1] =	stream.indirect_vreg.gather @!p0 [hbm4b:s9+s28], $0x80, v4, vm1, $0xb8;
	[tilespmem:$0x8180] =	vst v63  }
0x46: {  	s13 =	simm.s32 @!p0 $0x6100  }
0x47: {  	[tilespmem:s13], [sflag:$0x1] =	stream.indirect_vreg.gather @!p0 [hbm4b:s1+s28], $0x80, v3, vm1, $0xb8;
	[tilespmem:$0x8180] =	vst v63  }
0x48: {  	s13 =	simm.s32 @!p0 $0x6900  }
0x49: {  	[tilespmem:s13], [sflag:$0x1] =	stream.indirect_vreg.gather @!p0 [hbm4b:s7+s28], $0x80, v3, vm1, $0xb8;
	[tilespmem:$0x8180] =	vst v63  }
0x4a: {  	s13 =	simm.s32 @!p0 $0x7100  }
0x4b: {  	[tilespmem:s13], [sflag:$0x1] =	stream.indirect_vreg.gather @!p0 [hbm4b:s8+s28], $0x80, v3, vm1, $0xb8;
	[tilespmem:$0x8180] =	vst v63  }
0x4c: {  	s13 =	simm.s32 @!p0 $0x7900  }
0x4d: {  	[tilespmem:s13], [sflag:$0x1] =	stream.indirect_vreg.gather @!p0 [hbm4b:s9+s28], $0x80, v3, vm1, $0xb8;
	[tilespmem:$0x8180] =	vst v63  }
0x4e: {  	s13 =	simm.s32 @!p0 $0x1  }
0x4f: {  	_ =	swait.ge @!p0 [sflag:s13], $0x8000  }
0x50: {  	[sflag:s13] =	ssyncset.done @!p0 $0x0  }
0x51: {  	[sflag:s13] =	ssyncadd.s32 @!p0 $0xFFFF8000;
	s13 =	simm.s32 @!p0 $0x2  }
0x52: {  	[hbm4b:s10+s28] =	stream.linear.scatter @!p0 [tilespmem:s29], [sflag:$0x2], $0x8000, $0x38;
	[tilespmem:$0x8180] =	vst v63  }
0x53: {  	_ =	swait.ge @!p0 [sflag:s13], $0x8000  }
0x54: {  	p1 =	slt.u32 @!p0 s26, $0x21;
	[sflag:s13] =	ssyncset.done @!p0 $0x0  }
0x55: {  	[sflag:s13] =	ssyncadd.s32 @!p0 $0xFFFF8000;
	p0 =	por p0, p1  }
0x56: {  	v3 =	vld @!p0 [tilespmem:$0x20];
	_ =	sdelay $0x4  }
0x57: {  	v4 =	vshll.u32 @!p0 v3, $0x3  }
0x58: {  	v5 =	vlaneseq.u32 @!p0;
	v3 =	vand.u32 @!p0 $0x7, v3;
	v4 =	vand.u32 @!p0 $0xFFFFFFC0, v4  }
0x59: {  	v6 =	vshrl.u32 @!p0 v5, $0x3;
	v3 =	vor.u32 @!p0 v3, v4;
	v4 =	vand.u32 @!p0 $0x7, v5  }
0x5a: {  	v6 =	vmul.u32 @!p0 $0x8, v6;
	v7 =	vperm.xlane @!p0 v3, v4;
	_ =	sdelay $0x1  }
0x5b: {  	v7 =	vadd.s32 @!p0 v6, v7;
	_ =	sdelay $0x3  }
0x5c: {  	vm1 =	vmmov @!p0 $0xffff;
	s13 =	simm.s32 @!p0 $0x0;
	s28 =	simm.s32 @!p0 $0x100  }
0x5d: {  	v5 =	vor.u32 @!p0 $0x8, v5;
	[tilespmem:s28], [sflag:$0x1] =	stream.indirect_vreg.gather @!p0 [hbm4b:s1+s13], $0x80, v7, vm1, $0xb8;
	[tilespmem:$0x8180] =	vst v63  }
0x5e: {  	s29 =	simm.s32 @!p0 $0x900;
	v3 =	vperm.xlane @!p0 v3, v5  }
0x5f: {  	[tilespmem:s29], [sflag:$0x1] =	stream.indirect_vreg.gather @!p0 [hbm4b:s7+s13], $0x80, v7, vm1, $0xb8;
	[tilespmem:$0x8180] =	vst v63  }
0x60: {  	v3 =	vadd.s32 @!p0 v6, v3;
	s29 =	simm.s32 @!p0 $0x1100  }
0x61: {  	[tilespmem:s29], [sflag:$0x1] =	stream.indirect_vreg.gather @!p0 [hbm4b:s8+s13], $0x80, v7, vm1, $0xb8;
	[tilespmem:$0x8180] =	vst v63  }
0x62: {  	s29 =	simm.s32 @!p0 $0x1900  }
0x63: {  	[tilespmem:s29], [sflag:$0x1] =	stream.indirect_vreg.gather @!p0 [hbm4b:s9+s13], $0x80, v7, vm1, $0xb8;
	[tilespmem:$0x8180] =	vst v63  }
0x64: {  	s29 =	simm.s32 @!p0 $0x2100  }
0x65: {  	[tilespmem:s29], [sflag:$0x1] =	stream.indirect_vreg.gather @!p0 [hbm4b:s1+s13], $0x80, v3, vm1, $0xb8;
	[tilespmem:$0x8180] =	vst v63  }
0x66: {  	s29 =	simm.s32 @!p0 $0x2900  }
0x67: {  	[tilespmem:s29], [sflag:$0x1] =	stream.indirect_vreg.gather @!p0 [hbm4b:s7+s13], $0x80, v3, vm1, $0xb8;
	[tilespmem:$0x8180] =	vst v63  }
0x68: {  	s29 =	simm.s32 @!p0 $0x3100  }
0x69: {  	[tilespmem:s29], [sflag:$0x1] =	stream.indirect_vreg.gather @!p0 [hbm4b:s8+s13], $0x80, v3, vm1, $0xb8;
	[tilespmem:$0x8180] =	vst v63  }
0x6a: {  	s29 =	simm.s32 @!p0 $0x3900  }
0x6b: {  	[tilespmem:s29], [sflag:$0x1] =	stream.indirect_vreg.gather @!p0 [hbm4b:s9+s13], $0x80, v3, vm1, $0xb8;
	[tilespmem:$0x8180] =	vst v63  }
0x6c: {  	v3 =	vld @!p0 [tilespmem:$0x30];
	_ =	sdelay $0x4  }
0x6d: {  	v7 =	vshll.u32 @!p0 v3, $0x3  }
0x6e: {  	v3 =	vand.u32 @!p0 $0x7, v3;
	v7 =	vand.u32 @!p0 $0xFFFFFFC0, v7  }
0x6f: {  	v3 =	vor.u32 @!p0 v3, v7  }
0x70: {  	v4 =	vperm.xlane @!p0 v3, v4;
	_ =	sdelay $0x1  }
0x71: {  	v4 =	vadd.s32 @!p0 v6, v4;
	_ =	sdelay $0x3  }
0x72: {  	s29 =	simm.s32 @!p0 $0x4100  }
0x73: {  	[tilespmem:s29], [sflag:$0x1] =	stream.indirect_vreg.gather @!p0 [hbm4b:s1+s13], $0x80, v4, vm1, $0xb8;
	[tilespmem:$0x8180] =	vst v63  }
0x74: {  	v3 =	vperm.xlane @!p0 v3, v5;
	s29 =	simm.s32 @!p0 $0x4900  }
0x75: {  	[tilespmem:s29], [sflag:$0x1] =	stream.indirect_vreg.gather @!p0 [hbm4b:s7+s13], $0x80, v4, vm1, $0xb8;
	[tilespmem:$0x8180] =	vst v63  }
0x76: {  	v3 =	vadd.s32 @!p0 v6, v3;
	s29 =	simm.s32 @!p0 $0x5100  }
0x77: {  	[tilespmem:s29], [sflag:$0x1] =	stream.indirect_vreg.gather @!p0 [hbm4b:s8+s13], $0x80, v4, vm1, $0xb8;
	[tilespmem:$0x8180] =	vst v63  }
0x78: {  	s29 =	simm.s32 @!p0 $0x5900  }
0x79: {  	[tilespmem:s29], [sflag:$0x1] =	stream.indirect_vreg.gather @!p0 [hbm4b:s9+s13], $0x80, v4, vm1, $0xb8;
	[tilespmem:$0x8180] =	vst v63  }
0x7a: {  	s29 =	simm.s32 @!p0 $0x6100  }
0x7b: {  	[tilespmem:s29], [sflag:$0x1] =	stream.indirect_vreg.gather @!p0 [hbm4b:s1+s13], $0x80, v3, vm1, $0xb8;
	[tilespmem:$0x8180] =	vst v63  }
0x7c: {  	s29 =	simm.s32 @!p0 $0x6900  }
0x7d: {  	[tilespmem:s29], [sflag:$0x1] =	stream.indirect_vreg.gather @!p0 [hbm4b:s7+s13], $0x80, v3, vm1, $0xb8;
	[tilespmem:$0x8180] =	vst v63  }
0x7e: {  	s29 =	simm.s32 @!p0 $0x7100  }
0x7f: {  	[tilespmem:s29], [sflag:$0x1] =	stream.indirect_vreg.gather @!p0 [hbm4b:s8+s13], $0x80, v3, vm1, $0xb8;
	[tilespmem:$0x8180] =	vst v63  }
0x80: {  	s29 =	simm.s32 @!p0 $0x7900  }
0x81: {  	[tilespmem:s29], [sflag:$0x1] =	stream.indirect_vreg.gather @!p0 [hbm4b:s9+s13], $0x80, v3, vm1, $0xb8;
	[tilespmem:$0x8180] =	vst v63  }
0x82: {  	s29 =	simm.s32 @!p0 $0x1  }
0x83: {  	_ =	swait.ge @!p0 [sflag:s29], $0x8000  }
0x84: {  	[sflag:s29] =	ssyncset.done @!p0 $0x0  }
0x85: {  	[sflag:s29] =	ssyncadd.s32 @!p0 $0xFFFF8000  }
0x86: {  	[hbm4b:s11+s13] =	stream.linear.scatter @!p0 [tilespmem:s28], [sflag:$0x2], $0x8000, $0x38;
	[tilespmem:$0x8180] =	vst v63  }
0x87: {  	s13 =	simm.s32 @!p0 $0x2  }
0x88: {  	_ =	swait.ge @!p0 [sflag:s13], $0x8000  }
0x89: {  	p1 =	slt.u32 @!p0 s26, $0x41;
	[sflag:s13] =	ssyncset.done @!p0 $0x0  }
0x8a: {  	[sflag:s13] =	ssyncadd.s32 @!p0 $0xFFFF8000;
	p0 =	por p0, p1  }
0x8b: {  	v3 =	vld @!p0 [tilespmem:$0x40];
	_ =	sdelay $0x4  }
0x8c: {  	v4 =	vshll.u32 @!p0 v3, $0x3  }
0x8d: {  	v5 =	vlaneseq.u32 @!p0;
	v3 =	vand.u32 @!p0 $0x7, v3;
	v4 =	vand.u32 @!p0 $0xFFFFFFC0, v4  }
0x8e: {  	v6 =	vshrl.u32 @!p0 v5, $0x3;
	v3 =	vor.u32 @!p0 v3, v4;
	v4 =	vand.u32 @!p0 $0x7, v5  }
0x8f: {  	v6 =	vmul.u32 @!p0 $0x8, v6;
	v7 =	vperm.xlane @!p0 v3, v4;
	_ =	sdelay $0x1  }
0x90: {  	v7 =	vadd.s32 @!p0 v6, v7;
	_ =	sdelay $0x3  }
0x91: {  	vm1 =	vmmov @!p0 $0xffff;
	s13 =	simm.s32 @!p0 $0x0;
	s28 =	simm.s32 @!p0 $0x100  }
0x92: {  	v5 =	vor.u32 @!p0 $0x8, v5;
	[tilespmem:s28], [sflag:$0x1] =	stream.indirect_vreg.gather @!p0 [hbm4b:s1+s13], $0x80, v7, vm1, $0xb8;
	[tilespmem:$0x8180] =	vst v63  }
0x93: {  	s29 =	simm.s32 @!p0 $0x900;
	v3 =	vperm.xlane @!p0 v3, v5  }
0x94: {  	[tilespmem:s29], [sflag:$0x1] =	stream.indirect_vreg.gather @!p0 [hbm4b:s7+s13], $0x80, v7, vm1, $0xb8;
	[tilespmem:$0x8180] =	vst v63  }
0x95: {  	v3 =	vadd.s32 @!p0 v6, v3;
	s29 =	simm.s32 @!p0 $0x1100  }
0x96: {  	[tilespmem:s29], [sflag:$0x1] =	stream.indirect_vreg.gather @!p0 [hbm4b:s8+s13], $0x80, v7, vm1, $0xb8;
	[tilespmem:$0x8180] =	vst v63  }
0x97: {  	s29 =	simm.s32 @!p0 $0x1900  }
0x98: {  	[tilespmem:s29], [sflag:$0x1] =	stream.indirect_vreg.gather @!p0 [hbm4b:s9+s13], $0x80, v7, vm1, $0xb8;
	[tilespmem:$0x8180] =	vst v63  }
0x99: {  	s29 =	simm.s32 @!p0 $0x2100  }
0x9a: {  	[tilespmem:s29], [sflag:$0x1] =	stream.indirect_vreg.gather @!p0 [hbm4b:s1+s13], $0x80, v3, vm1, $0xb8;
	[tilespmem:$0x8180] =	vst v63  }
0x9b: {  	s29 =	simm.s32 @!p0 $0x2900  }
0x9c: {  	[tilespmem:s29], [sflag:$0x1] =	stream.indirect_vreg.gather @!p0 [hbm4b:s7+s13], $0x80, v3, vm1, $0xb8;
	[tilespmem:$0x8180] =	vst v63  }
0x9d: {  	s29 =	simm.s32 @!p0 $0x3100  }
0x9e: {  	[tilespmem:s29], [sflag:$0x1] =	stream.indirect_vreg.gather @!p0 [hbm4b:s8+s13], $0x80, v3, vm1, $0xb8;
	[tilespmem:$0x8180] =	vst v63  }
0x9f: {  	s29 =	simm.s32 @!p0 $0x3900  }
0xa0: {  	[tilespmem:s29], [sflag:$0x1] =	stream.indirect_vreg.gather @!p0 [hbm4b:s9+s13], $0x80, v3, vm1, $0xb8;
	[tilespmem:$0x8180] =	vst v63  }
0xa1: {  	v3 =	vld @!p0 [tilespmem:$0x50];
	_ =	sdelay $0x4  }
0xa2: {  	v7 =	vshll.u32 @!p0 v3, $0x3  }
0xa3: {  	v3 =	vand.u32 @!p0 $0x7, v3;
	v7 =	vand.u32 @!p0 $0xFFFFFFC0, v7  }
0xa4: {  	v3 =	vor.u32 @!p0 v3, v7  }
0xa5: {  	v4 =	vperm.xlane @!p0 v3, v4;
	_ =	sdelay $0x1  }
0xa6: {  	v4 =	vadd.s32 @!p0 v6, v4;
	_ =	sdelay $0x3  }
0xa7: {  	s29 =	simm.s32 @!p0 $0x4100  }
0xa8: {  	[tilespmem:s29], [sflag:$0x1] =	stream.indirect_vreg.gather @!p0 [hbm4b:s1+s13], $0x80, v4, vm1, $0xb8;
	[tilespmem:$0x8180] =	vst v63  }
0xa9: {  	v3 =	vperm.xlane @!p0 v3, v5;
	s29 =	simm.s32 @!p0 $0x4900  }
0xaa: {  	[tilespmem:s29], [sflag:$0x1] =	stream.indirect_vreg.gather @!p0 [hbm4b:s7+s13], $0x80, v4, vm1, $0xb8;
	[tilespmem:$0x8180] =	vst v63  }
0xab: {  	v3 =	vadd.s32 @!p0 v6, v3;
	s29 =	simm.s32 @!p0 $0x5100  }
0xac: {  	[tilespmem:s29], [sflag:$0x1] =	stream.indirect_vreg.gather @!p0 [hbm4b:s8+s13], $0x80, v4, vm1, $0xb8;
	[tilespmem:$0x8180] =	vst v63  }
0xad: {  	s29 =	simm.s32 @!p0 $0x5900  }
0xae: {  	[tilespmem:s29], [sflag:$0x1] =	stream.indirect_vreg.gather @!p0 [hbm4b:s9+s13], $0x80, v4, vm1, $0xb8;
	[tilespmem:$0x8180] =	vst v63  }
0xaf: {  	s29 =	simm.s32 @!p0 $0x6100  }
0xb0: {  	[tilespmem:s29], [sflag:$0x1] =	stream.indirect_vreg.gather @!p0 [hbm4b:s1+s13], $0x80, v3, vm1, $0xb8;
	[tilespmem:$0x8180] =	vst v63  }
0xb1: {  	s29 =	simm.s32 @!p0 $0x6900  }
0xb2: {  	[tilespmem:s29], [sflag:$0x1] =	stream.indirect_vreg.gather @!p0 [hbm4b:s7+s13], $0x80, v3, vm1, $0xb8;
	[tilespmem:$0x8180] =	vst v63  }
0xb3: {  	s29 =	simm.s32 @!p0 $0x7100  }
0xb4: {  	[tilespmem:s29], [sflag:$0x1] =	stream.indirect_vreg.gather @!p0 [hbm4b:s8+s13], $0x80, v3, vm1, $0xb8;
	[tilespmem:$0x8180] =	vst v63  }
0xb5: {  	s29 =	simm.s32 @!p0 $0x7900  }
0xb6: {  	[tilespmem:s29], [sflag:$0x1] =	stream.indirect_vreg.gather @!p0 [hbm4b:s9+s13], $0x80, v3, vm1, $0xb8;
	[tilespmem:$0x8180] =	vst v63  }
0xb7: {  	s29 =	simm.s32 @!p0 $0x1  }
0xb8: {  	_ =	swait.ge @!p0 [sflag:s29], $0x8000  }
0xb9: {  	p1 =	slt.u32 @!p0 s26, $0x61;
	[sflag:s29] =	ssyncset.done @!p0 $0x0  }
0xba: {  	p1 =	por p0, p1;
	[sflag:s29] =	ssyncadd.s32 @!p0 $0xFFFF8000  }
0xbb: {  	[hbm4b:s12+s13] =	stream.linear.scatter @!p0 [tilespmem:s28], [sflag:$0x2], $0x8000, $0x38;
	[tilespmem:$0x8180] =	vst v63  }
.Ltmp2:
0xbc: {  	_ = 	snop;
	(pc) =	sbr.rel @p1 .LBB2_3-.Ltmp2, $4  }
0xbd: {  	s13 =	simm.s32 @!p0 $0x2  }
0xbe: {  	_ =	swait.ge @!p0 [sflag:s13], $0x8000  }
0xbf: {  	[sflag:s13] =	ssyncset.done @!p0 $0x0  }
0xc0: {  	[sflag:s13] =	ssyncadd.s32 @!p0 $0xFFFF8000  }
0xc1: {  	v3 =	vld [tilespmem:$0x60];
	_ =	sdelay $0x4  }
0xc2: {  	v4 =	vshll.u32 v3, $0x3  }
0xc3: {  	v3 =	vand.u32 $0x7, v3;
	v4 =	vand.u32 $0xFFFFFFC0, v4  }
0xc4: {  	v3 =	vor.u32 v3, v4  }
0xc5: {  	v4 =	vperm.xlane v3, v0;
	_ =	sdelay $0x1  }
0xc6: {  	v4 =	vadd.s32 v1, v4;
	_ =	sdelay $0x4  }
0xc7: {  	[tilespmem:s21], [sflag:$0x1] =	stream.indirect_vreg.gather [hbm4b:s1+s3], $0x80, v4, vm0, $0xb8;
	[tilespmem:$0x8180] =	vst v63  }
0xc8: {  	s13 =	simm.s32 $0x900;
	v3 =	vperm.xlane v3, v2  }
0xc9: {  	[tilespmem:s13], [sflag:$0x1] =	stream.indirect_vreg.gather [hbm4b:s7+s3], $0x80, v4, vm0, $0xb8;
	[tilespmem:$0x8180] =	vst v63  }
0xca: {  	s29 =	simm.s32 $0x1100;
	v3 =	vadd.s32 v1, v3  }
0xcb: {  	[tilespmem:s29], [sflag:$0x1] =	stream.indirect_vreg.gather [hbm4b:s8+s3], $0x80, v4, vm0, $0xb8;
	[tilespmem:$0x8180] =	vst v63  }
0xcc: {  	s26 =	simm.s32 $0x1900  }
0xcd: {  	[tilespmem:s26], [sflag:$0x1] =	stream.indirect_vreg.gather [hbm4b:s9+s3], $0x80, v4, vm0, $0xb8;
	[tilespmem:$0x8180] =	vst v63  }
0xce: {  	s28 =	simm.s32 $0x2100  }
0xcf: {  	[tilespmem:s28], [sflag:$0x1] =	stream.indirect_vreg.gather [hbm4b:s1+s3], $0x80, v3, vm0, $0xb8;
	[tilespmem:$0x8180] =	vst v63  }
0xd0: {  	s29 =	simm.s32 $0x2900  }
0xd1: {  	[tilespmem:s29], [sflag:$0x1] =	stream.indirect_vreg.gather [hbm4b:s7+s3], $0x80, v3, vm0, $0xb8;
	[tilespmem:$0x8180] =	vst v63  }
0xd2: {  	s26 =	simm.s32 $0x3100  }
0xd3: {  	[tilespmem:s26], [sflag:$0x1] =	stream.indirect_vreg.gather [hbm4b:s8+s3], $0x80, v3, vm0, $0xb8;
	[tilespmem:$0x8180] =	vst v63  }
0xd4: {  	s28 =	simm.s32 $0x3900  }
0xd5: {  	[tilespmem:s28], [sflag:$0x1] =	stream.indirect_vreg.gather [hbm4b:s9+s3], $0x80, v3, vm0, $0xb8;
	[tilespmem:$0x8180] =	vst v63  }
0xd6: {  	v3 =	vld [tilespmem:$0x70];
	_ =	sdelay $0x4  }
0xd7: {  	v63 =	vshll.u32 v3, $0x3  }
0xd8: {  	v3 =	vand.u32 $0x7, v3;
	v4 =	vand.u32 $0xFFFFFFC0, v63  }
0xd9: {  	v3 =	vor.u32 v3, v4  }
0xda: {  	v4 =	vperm.xlane v3, v0;
	_ =	sdelay $0x1  }
0xdb: {  	v4 =	vadd.s32 v1, v4;
	_ =	sdelay $0x4  }
0xdc: {  	[tilespmem:s30], [sflag:$0x1] =	stream.indirect_vreg.gather [hbm4b:s1+s3], $0x80, v4, vm0, $0xb8;
	[tilespmem:$0x8180] =	vst v63  }
0xdd: {  	v3 =	vperm.xlane v3, v2  }
0xde: {  	[tilespmem:s31], [sflag:$0x1] =	stream.indirect_vreg.gather [hbm4b:s7+s3], $0x80, v4, vm0, $0xb8;
	[tilespmem:$0x8180] =	vst v63  }
0xdf: {  	v3 =	vadd.s32 v1, v3  }
0xe0: {  	[tilespmem:s0], [sflag:$0x1] =	stream.indirect_vreg.gather [hbm4b:s8+s3], $0x80, v4, vm0, $0xb8;
	[tilespmem:$0x8180] =	vst v63  }
0xe1: {  	_ = 	snop  }
0xe2: {  	[tilespmem:s2], [sflag:$0x1] =	stream.indirect_vreg.gather [hbm4b:s9+s3], $0x80, v4, vm0, $0xb8;
	[tilespmem:$0x8180] =	vst v63  }
0xe3: {  	_ = 	snop  }
0xe4: {  	[tilespmem:s20], [sflag:$0x1] =	stream.indirect_vreg.gather [hbm4b:s1+s3], $0x80, v3, vm0, $0xb8;
	[tilespmem:$0x8180] =	vst v63  }
0xe5: {  	_ = 	snop  }
0xe6: {  	[tilespmem:s22], [sflag:$0x1] =	stream.indirect_vreg.gather [hbm4b:s7+s3], $0x80, v3, vm0, $0xb8;
	[tilespmem:$0x8180] =	vst v63  }
0xe7: {  	_ = 	snop  }
0xe8: {  	[tilespmem:s23], [sflag:$0x1] =	stream.indirect_vreg.gather [hbm4b:s8+s3], $0x80, v3, vm0, $0xb8;
	[tilespmem:$0x8180] =	vst v63  }
0xe9: {  	_ = 	snop  }
0xea: {  	[tilespmem:s24], [sflag:$0x1] =	stream.indirect_vreg.gather [hbm4b:s9+s3], $0x80, v3, vm0, $0xb8;
	[tilespmem:$0x8180] =	vst v63  }
0xeb: {  	_ =	swait.ge [sflag:s25], $0x8000  }
0xec: {  	[sflag:s25] =	ssyncset.done $0x0  }
0xed: {  	s29 =	rddreg [dreg:$0x4];
	[sflag:s25] =	ssyncadd.s32 $0xFFFF8000  }
0xee: {  	[hbm4b:s29+s3] =	stream.linear.scatter [tilespmem:s21], [sflag:$0x2], $0x8000, $0x38;
	[tilespmem:$0x8180] =	vst v63  }
0xef: {  	_ =	swait.ge [sflag:s19], $0x8000  }
0xf0: {  	[sflag:s19] =	ssyncset.done $0x0  }
0xf1: {  	[sflag:s19] =	ssyncadd.s32 $0xFFFF8000  }
.LBB2_3:
0xf2: {  	v3 =	vld [tilespmem:s6+$0x8101];
	_ =	sdelay $0x4  }
0xf3: {  	(v2sf) =	vpush v3, $0x0;
	_ =	sdelay $0xe  }
0xf4: {  	s26 =	spop (v2sf)  }
0xf5: {  	p0 =	slt.s32 s26, $0x1  }
0xf6: {  	v3 =	vld @!p0 [tilespmem:$0x80];
	_ =	sdelay $0x4  }
0xf7: {  	v4 =	vshll.u32 @!p0 v3, $0x3  }
0xf8: {  	v5 =	vlaneseq.u32 @!p0;
	v3 =	vand.u32 @!p0 $0x7, v3;
	v4 =	vand.u32 @!p0 $0xFFFFFFC0, v4  }
0xf9: {  	v6 =	vshrl.u32 @!p0 v5, $0x3;
	v3 =	vor.u32 @!p0 v3, v4;
	v4 =	vand.u32 @!p0 $0x7, v5  }
0xfa: {  	v6 =	vmul.u32 @!p0 $0x8, v6;
	v7 =	vperm.xlane @!p0 v3, v4;
	_ =	sdelay $0x1  }
0xfb: {  	v7 =	vadd.s32 @!p0 v6, v7;
	_ =	sdelay $0x3  }
0xfc: {  	vm1 =	vmmov @!p0 $0xffff;
	s13 =	simm.s32 @!p0 $0x0;
	s28 =	simm.s32 @!p0 $0x100  }
0xfd: {  	v5 =	vor.u32 @!p0 $0x8, v5;
	[tilespmem:s28], [sflag:$0x1] =	stream.indirect_vreg.gather @!p0 [hbm4b:s1+s13], $0x80, v7, vm1, $0xb8;
	[tilespmem:$0x8180] =	vst v63  }
0xfe: {  	s29 =	simm.s32 @!p0 $0x900;
	v3 =	vperm.xlane @!p0 v3, v5  }
0xff: {  	[tilespmem:s29], [sflag:$0x1] =	stream.indirect_vreg.gather @!p0 [hbm4b:s7+s13], $0x80, v7, vm1, $0xb8;
	[tilespmem:$0x8180] =	vst v63  }
0x100: {  	v3 =	vadd.s32 @!p0 v6, v3;
	s29 =	simm.s32 @!p0 $0x1100  }
0x101: {  	[tilespmem:s29], [sflag:$0x1] =	stream.indirect_vreg.gather @!p0 [hbm4b:s8+s13], $0x80, v7, vm1, $0xb8;
	[tilespmem:$0x8180] =	vst v63  }
0x102: {  	s29 =	simm.s32 @!p0 $0x1900  }
0x103: {  	[tilespmem:s29], [sflag:$0x1] =	stream.indirect_vreg.gather @!p0 [hbm4b:s9+s13], $0x80, v7, vm1, $0xb8;
	[tilespmem:$0x8180] =	vst v63  }
0x104: {  	s29 =	simm.s32 @!p0 $0x2100  }
0x105: {  	[tilespmem:s29], [sflag:$0x1] =	stream.indirect_vreg.gather @!p0 [hbm4b:s1+s13], $0x80, v3, vm1, $0xb8;
	[tilespmem:$0x8180] =	vst v63  }
0x106: {  	s29 =	simm.s32 @!p0 $0x2900  }
0x107: {  	[tilespmem:s29], [sflag:$0x1] =	stream.indirect_vreg.gather @!p0 [hbm4b:s7+s13], $0x80, v3, vm1, $0xb8;
	[tilespmem:$0x8180] =	vst v63  }
0x108: {  	s29 =	simm.s32 @!p0 $0x3100  }
0x109: {  	[tilespmem:s29], [sflag:$0x1] =	stream.indirect_vreg.gather @!p0 [hbm4b:s8+s13], $0x80, v3, vm1, $0xb8;
	[tilespmem:$0x8180] =	vst v63  }
0x10a: {  	s29 =	simm.s32 @!p0 $0x3900  }
0x10b: {  	[tilespmem:s29], [sflag:$0x1] =	stream.indirect_vreg.gather @!p0 [hbm4b:s9+s13], $0x80, v3, vm1, $0xb8;
	[tilespmem:$0x8180] =	vst v63  }
0x10c: {  	v3 =	vld @!p0 [tilespmem:$0x90];
	_ =	sdelay $0x4  }
0x10d: {  	v7 =	vshll.u32 @!p0 v3, $0x3  }
0x10e: {  	v3 =	vand.u32 @!p0 $0x7, v3;
	v7 =	vand.u32 @!p0 $0xFFFFFFC0, v7  }
0x10f: {  	v3 =	vor.u32 @!p0 v3, v7  }
0x110: {  	v4 =	vperm.xlane @!p0 v3, v4;
	_ =	sdelay $0x1  }
0x111: {  	v4 =	vadd.s32 @!p0 v6, v4;
	_ =	sdelay $0x3  }
0x112: {  	s29 =	simm.s32 @!p0 $0x4100  }
0x113: {  	[tilespmem:s29], [sflag:$0x1] =	stream.indirect_vreg.gather @!p0 [hbm4b:s1+s13], $0x80, v4, vm1, $0xb8;
	[tilespmem:$0x8180] =	vst v63  }
0x114: {  	v3 =	vperm.xlane @!p0 v3, v5;
	s29 =	simm.s32 @!p0 $0x4900  }
0x115: {  	[tilespmem:s29], [sflag:$0x1] =	stream.indirect_vreg.gather @!p0 [hbm4b:s7+s13], $0x80, v4, vm1, $0xb8;
	[tilespmem:$0x8180] =	vst v63  }
0x116: {  	v3 =	vadd.s32 @!p0 v6, v3;
	s29 =	simm.s32 @!p0 $0x5100  }
0x117: {  	[tilespmem:s29], [sflag:$0x1] =	stream.indirect_vreg.gather @!p0 [hbm4b:s8+s13], $0x80, v4, vm1, $0xb8;
	[tilespmem:$0x8180] =	vst v63  }
0x118: {  	s29 =	simm.s32 @!p0 $0x5900  }
0x119: {  	[tilespmem:s29], [sflag:$0x1] =	stream.indirect_vreg.gather @!p0 [hbm4b:s9+s13], $0x80, v4, vm1, $0xb8;
	[tilespmem:$0x8180] =	vst v63  }
0x11a: {  	s29 =	simm.s32 @!p0 $0x6100  }
0x11b: {  	[tilespmem:s29], [sflag:$0x1] =	stream.indirect_vreg.gather @!p0 [hbm4b:s1+s13], $0x80, v3, vm1, $0xb8;
	[tilespmem:$0x8180] =	vst v63  }
0x11c: {  	s29 =	simm.s32 @!p0 $0x6900  }
0x11d: {  	[tilespmem:s29], [sflag:$0x1] =	stream.indirect_vreg.gather @!p0 [hbm4b:s7+s13], $0x80, v3, vm1, $0xb8;
	[tilespmem:$0x8180] =	vst v63  }
0x11e: {  	s29 =	simm.s32 @!p0 $0x7100  }
0x11f: {  	[tilespmem:s29], [sflag:$0x1] =	stream.indirect_vreg.gather @!p0 [hbm4b:s8+s13], $0x80, v3, vm1, $0xb8;
	[tilespmem:$0x8180] =	vst v63  }
0x120: {  	s29 =	simm.s32 @!p0 $0x7900  }
0x121: {  	[tilespmem:s29], [sflag:$0x1] =	stream.indirect_vreg.gather @!p0 [hbm4b:s9+s13], $0x80, v3, vm1, $0xb8;
	[tilespmem:$0x8180] =	vst v63  }
0x122: {  	s29 =	simm.s32 @!p0 $0x1  }
0x123: {  	_ =	swait.ge @!p0 [sflag:s29], $0x8000  }
0x124: {  	[sflag:s29] =	ssyncset.done @!p0 $0x0  }
0x125: {  	[sflag:s29] =	ssyncadd.s32 @!p0 $0xFFFF8000  }
0x126: {  	[hbm4b:s14+s13] =	stream.linear.scatter @!p0 [tilespmem:s28], [sflag:$0x2], $0x8000, $0x38;
	[tilespmem:$0x8180] =	vst v63  }
0x127: {  	s13 =	simm.s32 @!p0 $0x2  }
0x128: {  	_ =	swait.ge @!p0 [sflag:s13], $0x8000  }
0x129: {  	p1 =	slt.u32 @!p0 s26, $0x21;
	[sflag:s13] =	ssyncset.done @!p0 $0x0  }
0x12a: {  	[sflag:s13] =	ssyncadd.s32 @!p0 $0xFFFF8000;
	p0 =	por p0, p1  }
0x12b: {  	v3 =	vld @!p0 [tilespmem:$0xA0];
	_ =	sdelay $0x4  }
0x12c: {  	v4 =	vshll.u32 @!p0 v3, $0x3  }
0x12d: {  	v5 =	vlaneseq.u32 @!p0;
	v3 =	vand.u32 @!p0 $0x7, v3;
	v4 =	vand.u32 @!p0 $0xFFFFFFC0, v4  }
0x12e: {  	v6 =	vshrl.u32 @!p0 v5, $0x3;
	v3 =	vor.u32 @!p0 v3, v4;
	v4 =	vand.u32 @!p0 $0x7, v5  }
0x12f: {  	v6 =	vmul.u32 @!p0 $0x8, v6;
	v7 =	vperm.xlane @!p0 v3, v4;
	_ =	sdelay $0x1  }
0x130: {  	v7 =	vadd.s32 @!p0 v6, v7;
	_ =	sdelay $0x3  }
0x131: {  	vm1 =	vmmov @!p0 $0xffff;
	s13 =	simm.s32 @!p0 $0x0;
	s28 =	simm.s32 @!p0 $0x100  }
0x132: {  	v5 =	vor.u32 @!p0 $0x8, v5;
	[tilespmem:s28], [sflag:$0x1] =	stream.indirect_vreg.gather @!p0 [hbm4b:s1+s13], $0x80, v7, vm1, $0xb8;
	[tilespmem:$0x8180] =	vst v63  }
0x133: {  	s29 =	simm.s32 @!p0 $0x900;
	v3 =	vperm.xlane @!p0 v3, v5  }
0x134: {  	[tilespmem:s29], [sflag:$0x1] =	stream.indirect_vreg.gather @!p0 [hbm4b:s7+s13], $0x80, v7, vm1, $0xb8;
	[tilespmem:$0x8180] =	vst v63  }
0x135: {  	v3 =	vadd.s32 @!p0 v6, v3;
	s29 =	simm.s32 @!p0 $0x1100  }
0x136: {  	[tilespmem:s29], [sflag:$0x1] =	stream.indirect_vreg.gather @!p0 [hbm4b:s8+s13], $0x80, v7, vm1, $0xb8;
	[tilespmem:$0x8180] =	vst v63  }
0x137: {  	s29 =	simm.s32 @!p0 $0x1900  }
0x138: {  	[tilespmem:s29], [sflag:$0x1] =	stream.indirect_vreg.gather @!p0 [hbm4b:s9+s13], $0x80, v7, vm1, $0xb8;
	[tilespmem:$0x8180] =	vst v63  }
0x139: {  	s29 =	simm.s32 @!p0 $0x2100  }
0x13a: {  	[tilespmem:s29], [sflag:$0x1] =	stream.indirect_vreg.gather @!p0 [hbm4b:s1+s13], $0x80, v3, vm1, $0xb8;
	[tilespmem:$0x8180] =	vst v63  }
0x13b: {  	s29 =	simm.s32 @!p0 $0x2900  }
0x13c: {  	[tilespmem:s29], [sflag:$0x1] =	stream.indirect_vreg.gather @!p0 [hbm4b:s7+s13], $0x80, v3, vm1, $0xb8;
	[tilespmem:$0x8180] =	vst v63  }
0x13d: {  	s29 =	simm.s32 @!p0 $0x3100  }
0x13e: {  	[tilespmem:s29], [sflag:$0x1] =	stream.indirect_vreg.gather @!p0 [hbm4b:s8+s13], $0x80, v3, vm1, $0xb8;
	[tilespmem:$0x8180] =	vst v63  }
0x13f: {  	s29 =	simm.s32 @!p0 $0x3900  }
0x140: {  	[tilespmem:s29], [sflag:$0x1] =	stream.indirect_vreg.gather @!p0 [hbm4b:s9+s13], $0x80, v3, vm1, $0xb8;
	[tilespmem:$0x8180] =	vst v63  }
0x141: {  	v3 =	vld @!p0 [tilespmem:$0xB0];
	_ =	sdelay $0x4  }
0x142: {  	v7 =	vshll.u32 @!p0 v3, $0x3  }
0x143: {  	v3 =	vand.u32 @!p0 $0x7, v3;
	v7 =	vand.u32 @!p0 $0xFFFFFFC0, v7  }
0x144: {  	v3 =	vor.u32 @!p0 v3, v7  }
0x145: {  	v4 =	vperm.xlane @!p0 v3, v4;
	_ =	sdelay $0x1  }
0x146: {  	v4 =	vadd.s32 @!p0 v6, v4;
	_ =	sdelay $0x3  }
0x147: {  	s29 =	simm.s32 @!p0 $0x4100  }
0x148: {  	[tilespmem:s29], [sflag:$0x1] =	stream.indirect_vreg.gather @!p0 [hbm4b:s1+s13], $0x80, v4, vm1, $0xb8;
	[tilespmem:$0x8180] =	vst v63  }
0x149: {  	v3 =	vperm.xlane @!p0 v3, v5;
	s29 =	simm.s32 @!p0 $0x4900  }
0x14a: {  	[tilespmem:s29], [sflag:$0x1] =	stream.indirect_vreg.gather @!p0 [hbm4b:s7+s13], $0x80, v4, vm1, $0xb8;
	[tilespmem:$0x8180] =	vst v63  }
0x14b: {  	v3 =	vadd.s32 @!p0 v6, v3;
	s29 =	simm.s32 @!p0 $0x5100  }
0x14c: {  	[tilespmem:s29], [sflag:$0x1] =	stream.indirect_vreg.gather @!p0 [hbm4b:s8+s13], $0x80, v4, vm1, $0xb8;
	[tilespmem:$0x8180] =	vst v63  }
0x14d: {  	s29 =	simm.s32 @!p0 $0x5900  }
0x14e: {  	[tilespmem:s29], [sflag:$0x1] =	stream.indirect_vreg.gather @!p0 [hbm4b:s9+s13], $0x80, v4, vm1, $0xb8;
	[tilespmem:$0x8180] =	vst v63  }
0x14f: {  	s29 =	simm.s32 @!p0 $0x6100  }
0x150: {  	[tilespmem:s29], [sflag:$0x1] =	stream.indirect_vreg.gather @!p0 [hbm4b:s1+s13], $0x80, v3, vm1, $0xb8;
	[tilespmem:$0x8180] =	vst v63  }
0x151: {  	s29 =	simm.s32 @!p0 $0x6900  }
0x152: {  	[tilespmem:s29], [sflag:$0x1] =	stream.indirect_vreg.gather @!p0 [hbm4b:s7+s13], $0x80, v3, vm1, $0xb8;
	[tilespmem:$0x8180] =	vst v63  }
0x153: {  	s29 =	simm.s32 @!p0 $0x7100  }
0x154: {  	[tilespmem:s29], [sflag:$0x1] =	stream.indirect_vreg.gather @!p0 [hbm4b:s8+s13], $0x80, v3, vm1, $0xb8;
	[tilespmem:$0x8180] =	vst v63  }
0x155: {  	s29 =	simm.s32 @!p0 $0x7900  }
0x156: {  	[tilespmem:s29], [sflag:$0x1] =	stream.indirect_vreg.gather @!p0 [hbm4b:s9+s13], $0x80, v3, vm1, $0xb8;
	[tilespmem:$0x8180] =	vst v63  }
0x157: {  	s29 =	simm.s32 @!p0 $0x1  }
0x158: {  	_ =	swait.ge @!p0 [sflag:s29], $0x8000  }
0x159: {  	[sflag:s29] =	ssyncset.done @!p0 $0x0  }
0x15a: {  	[sflag:s29] =	ssyncadd.s32 @!p0 $0xFFFF8000  }
0x15b: {  	[hbm4b:s15+s13] =	stream.linear.scatter @!p0 [tilespmem:s28], [sflag:$0x2], $0x8000, $0x38;
	[tilespmem:$0x8180] =	vst v63  }
0x15c: {  	s13 =	simm.s32 @!p0 $0x2  }
0x15d: {  	_ =	swait.ge @!p0 [sflag:s13], $0x8000  }
0x15e: {  	p1 =	slt.u32 @!p0 s26, $0x41;
	[sflag:s13] =	ssyncset.done @!p0 $0x0  }
0x15f: {  	[sflag:s13] =	ssyncadd.s32 @!p0 $0xFFFF8000;
	p0 =	por p0, p1  }
0x160: {  	v3 =	vld @!p0 [tilespmem:$0xC0];
	_ =	sdelay $0x4  }
0x161: {  	v4 =	vshll.u32 @!p0 v3, $0x3  }
0x162: {  	v5 =	vlaneseq.u32 @!p0;
	v3 =	vand.u32 @!p0 $0x7, v3;
	v4 =	vand.u32 @!p0 $0xFFFFFFC0, v4  }
0x163: {  	v6 =	vshrl.u32 @!p0 v5, $0x3;
	v3 =	vor.u32 @!p0 v3, v4;
	v4 =	vand.u32 @!p0 $0x7, v5  }
0x164: {  	v6 =	vmul.u32 @!p0 $0x8, v6;
	v7 =	vperm.xlane @!p0 v3, v4;
	_ =	sdelay $0x1  }
0x165: {  	v7 =	vadd.s32 @!p0 v6, v7;
	_ =	sdelay $0x3  }
0x166: {  	vm1 =	vmmov @!p0 $0xffff;
	s13 =	simm.s32 @!p0 $0x0;
	s28 =	simm.s32 @!p0 $0x100  }
0x167: {  	v5 =	vor.u32 @!p0 $0x8, v5;
	[tilespmem:s28], [sflag:$0x1] =	stream.indirect_vreg.gather @!p0 [hbm4b:s1+s13], $0x80, v7, vm1, $0xb8;
	[tilespmem:$0x8180] =	vst v63  }
0x168: {  	s29 =	simm.s32 @!p0 $0x900;
	v3 =	vperm.xlane @!p0 v3, v5  }
0x169: {  	[tilespmem:s29], [sflag:$0x1] =	stream.indirect_vreg.gather @!p0 [hbm4b:s7+s13], $0x80, v7, vm1, $0xb8;
	[tilespmem:$0x8180] =	vst v63  }
0x16a: {  	v3 =	vadd.s32 @!p0 v6, v3;
	s29 =	simm.s32 @!p0 $0x1100  }
0x16b: {  	[tilespmem:s29], [sflag:$0x1] =	stream.indirect_vreg.gather @!p0 [hbm4b:s8+s13], $0x80, v7, vm1, $0xb8;
	[tilespmem:$0x8180] =	vst v63  }
0x16c: {  	s29 =	simm.s32 @!p0 $0x1900  }
0x16d: {  	[tilespmem:s29], [sflag:$0x1] =	stream.indirect_vreg.gather @!p0 [hbm4b:s9+s13], $0x80, v7, vm1, $0xb8;
	[tilespmem:$0x8180] =	vst v63  }
0x16e: {  	s29 =	simm.s32 @!p0 $0x2100  }
0x16f: {  	[tilespmem:s29], [sflag:$0x1] =	stream.indirect_vreg.gather @!p0 [hbm4b:s1+s13], $0x80, v3, vm1, $0xb8;
	[tilespmem:$0x8180] =	vst v63  }
0x170: {  	s29 =	simm.s32 @!p0 $0x2900  }
0x171: {  	[tilespmem:s29], [sflag:$0x1] =	stream.indirect_vreg.gather @!p0 [hbm4b:s7+s13], $0x80, v3, vm1, $0xb8;
	[tilespmem:$0x8180] =	vst v63  }
0x172: {  	s29 =	simm.s32 @!p0 $0x3100  }
0x173: {  	[tilespmem:s29], [sflag:$0x1] =	stream.indirect_vreg.gather @!p0 [hbm4b:s8+s13], $0x80, v3, vm1, $0xb8;
	[tilespmem:$0x8180] =	vst v63  }
0x174: {  	s29 =	simm.s32 @!p0 $0x3900  }
0x175: {  	[tilespmem:s29], [sflag:$0x1] =	stream.indirect_vreg.gather @!p0 [hbm4b:s9+s13], $0x80, v3, vm1, $0xb8;
	[tilespmem:$0x8180] =	vst v63  }
0x176: {  	v3 =	vld @!p0 [tilespmem:$0xD0];
	_ =	sdelay $0x4  }
0x177: {  	v7 =	vshll.u32 @!p0 v3, $0x3  }
0x178: {  	v3 =	vand.u32 @!p0 $0x7, v3;
	v7 =	vand.u32 @!p0 $0xFFFFFFC0, v7  }
0x179: {  	v3 =	vor.u32 @!p0 v3, v7  }
0x17a: {  	v4 =	vperm.xlane @!p0 v3, v4;
	_ =	sdelay $0x1  }
0x17b: {  	v4 =	vadd.s32 @!p0 v6, v4;
	_ =	sdelay $0x3  }
0x17c: {  	s29 =	simm.s32 @!p0 $0x4100  }
0x17d: {  	[tilespmem:s29], [sflag:$0x1] =	stream.indirect_vreg.gather @!p0 [hbm4b:s1+s13], $0x80, v4, vm1, $0xb8;
	[tilespmem:$0x8180] =	vst v63  }
0x17e: {  	v3 =	vperm.xlane @!p0 v3, v5;
	s29 =	simm.s32 @!p0 $0x4900  }
0x17f: {  	[tilespmem:s29], [sflag:$0x1] =	stream.indirect_vreg.gather @!p0 [hbm4b:s7+s13], $0x80, v4, vm1, $0xb8;
	[tilespmem:$0x8180] =	vst v63  }
0x180: {  	v3 =	vadd.s32 @!p0 v6, v3;
	s29 =	simm.s32 @!p0 $0x5100  }
0x181: {  	[tilespmem:s29], [sflag:$0x1] =	stream.indirect_vreg.gather @!p0 [hbm4b:s8+s13], $0x80, v4, vm1, $0xb8;
	[tilespmem:$0x8180] =	vst v63  }
0x182: {  	s29 =	simm.s32 @!p0 $0x5900  }
0x183: {  	[tilespmem:s29], [sflag:$0x1] =	stream.indirect_vreg.gather @!p0 [hbm4b:s9+s13], $0x80, v4, vm1, $0xb8;
	[tilespmem:$0x8180] =	vst v63  }
0x184: {  	s29 =	simm.s32 @!p0 $0x6100  }
0x185: {  	[tilespmem:s29], [sflag:$0x1] =	stream.indirect_vreg.gather @!p0 [hbm4b:s1+s13], $0x80, v3, vm1, $0xb8;
	[tilespmem:$0x8180] =	vst v63  }
0x186: {  	s29 =	simm.s32 @!p0 $0x6900  }
0x187: {  	[tilespmem:s29], [sflag:$0x1] =	stream.indirect_vreg.gather @!p0 [hbm4b:s7+s13], $0x80, v3, vm1, $0xb8;
	[tilespmem:$0x8180] =	vst v63  }
0x188: {  	s29 =	simm.s32 @!p0 $0x7100  }
0x189: {  	[tilespmem:s29], [sflag:$0x1] =	stream.indirect_vreg.gather @!p0 [hbm4b:s8+s13], $0x80, v3, vm1, $0xb8;
	[tilespmem:$0x8180] =	vst v63  }
0x18a: {  	s29 =	simm.s32 @!p0 $0x7900  }
0x18b: {  	[tilespmem:s29], [sflag:$0x1] =	stream.indirect_vreg.gather @!p0 [hbm4b:s9+s13], $0x80, v3, vm1, $0xb8;
	[tilespmem:$0x8180] =	vst v63  }
0x18c: {  	s29 =	simm.s32 @!p0 $0x1  }
0x18d: {  	_ =	swait.ge @!p0 [sflag:s29], $0x8000  }
0x18e: {  	p1 =	slt.u32 @!p0 s26, $0x61;
	[sflag:s29] =	ssyncset.done @!p0 $0x0  }
0x18f: {  	p1 =	por p0, p1;
	[sflag:s29] =	ssyncadd.s32 @!p0 $0xFFFF8000  }
0x190: {  	[hbm4b:s16+s13] =	stream.linear.scatter @!p0 [tilespmem:s28], [sflag:$0x2], $0x8000, $0x38;
	[tilespmem:$0x8180] =	vst v63  }
.Ltmp3:
0x191: {  	_ = 	snop;
	(pc) =	sbr.rel @p1 .LBB2_5-.Ltmp3, $4  }
0x192: {  	s13 =	simm.s32 @!p0 $0x2  }
0x193: {  	_ =	swait.ge @!p0 [sflag:s13], $0x8000  }
0x194: {  	[sflag:s13] =	ssyncset.done @!p0 $0x0  }
0x195: {  	[sflag:s13] =	ssyncadd.s32 @!p0 $0xFFFF8000  }
0x196: {  	v3 =	vld [tilespmem:$0xE0];
	_ =	sdelay $0x4  }
0x197: {  	v4 =	vshll.u32 v3, $0x3  }
0x198: {  	v3 =	vand.u32 $0x7, v3;
	v4 =	vand.u32 $0xFFFFFFC0, v4  }
0x199: {  	v3 =	vor.u32 v3, v4  }
0x19a: {  	v4 =	vperm.xlane v3, v0;
	_ =	sdelay $0x1  }
0x19b: {  	v4 =	vadd.s32 v1, v4;
	_ =	sdelay $0x4  }
0x19c: {  	[tilespmem:s21], [sflag:$0x1] =	stream.indirect_vreg.gather [hbm4b:s1+s3], $0x80, v4, vm0, $0xb8;
	[tilespmem:$0x8180] =	vst v63  }
0x19d: {  	s13 =	simm.s32 $0x900;
	v3 =	vperm.xlane v3, v2  }
0x19e: {  	[tilespmem:s13], [sflag:$0x1] =	stream.indirect_vreg.gather [hbm4b:s7+s3], $0x80, v4, vm0, $0xb8;
	[tilespmem:$0x8180] =	vst v63  }
0x19f: {  	s26 =	simm.s32 $0x1100;
	v3 =	vadd.s32 v1, v3  }
0x1a0: {  	[tilespmem:s26], [sflag:$0x1] =	stream.indirect_vreg.gather [hbm4b:s8+s3], $0x80, v4, vm0, $0xb8;
	[tilespmem:$0x8180] =	vst v63  }
0x1a1: {  	s28 =	simm.s32 $0x1900  }
0x1a2: {  	[tilespmem:s28], [sflag:$0x1] =	stream.indirect_vreg.gather [hbm4b:s9+s3], $0x80, v4, vm0, $0xb8;
	[tilespmem:$0x8180] =	vst v63  }
0x1a3: {  	s29 =	simm.s32 $0x2100  }
0x1a4: {  	[tilespmem:s29], [sflag:$0x1] =	stream.indirect_vreg.gather [hbm4b:s1+s3], $0x80, v3, vm0, $0xb8;
	[tilespmem:$0x8180] =	vst v63  }
0x1a5: {  	s26 =	simm.s32 $0x2900  }
0x1a6: {  	[tilespmem:s26], [sflag:$0x1] =	stream.indirect_vreg.gather [hbm4b:s7+s3], $0x80, v3, vm0, $0xb8;
	[tilespmem:$0x8180] =	vst v63  }
0x1a7: {  	s28 =	simm.s32 $0x3100  }
0x1a8: {  	[tilespmem:s28], [sflag:$0x1] =	stream.indirect_vreg.gather [hbm4b:s8+s3], $0x80, v3, vm0, $0xb8;
	[tilespmem:$0x8180] =	vst v63  }
0x1a9: {  	s29 =	simm.s32 $0x3900  }
0x1aa: {  	[tilespmem:s29], [sflag:$0x1] =	stream.indirect_vreg.gather [hbm4b:s9+s3], $0x80, v3, vm0, $0xb8;
	[tilespmem:$0x8180] =	vst v63  }
0x1ab: {  	v3 =	vld [tilespmem:$0xF0];
	_ =	sdelay $0x4  }
0x1ac: {  	v63 =	vshll.u32 v3, $0x3  }
0x1ad: {  	v3 =	vand.u32 $0x7, v3;
	v4 =	vand.u32 $0xFFFFFFC0, v63  }
0x1ae: {  	v3 =	vor.u32 v3, v4  }
0x1af: {  	v4 =	vperm.xlane v3, v0;
	_ =	sdelay $0x1  }
0x1b0: {  	v4 =	vadd.s32 v1, v4;
	_ =	sdelay $0x4  }
0x1b1: {  	[tilespmem:s30], [sflag:$0x1] =	stream.indirect_vreg.gather [hbm4b:s1+s3], $0x80, v4, vm0, $0xb8;
	[tilespmem:$0x8180] =	vst v63  }
0x1b2: {  	v3 =	vperm.xlane v3, v2  }
0x1b3: {  	[tilespmem:s31], [sflag:$0x1] =	stream.indirect_vreg.gather [hbm4b:s7+s3], $0x80, v4, vm0, $0xb8;
	[tilespmem:$0x8180] =	vst v63  }
0x1b4: {  	v3 =	vadd.s32 v1, v3  }
0x1b5: {  	[tilespmem:s0], [sflag:$0x1] =	stream.indirect_vreg.gather [hbm4b:s8+s3], $0x80, v4, vm0, $0xb8;
	[tilespmem:$0x8180] =	vst v63  }
0x1b6: {  	_ = 	snop  }
0x1b7: {  	[tilespmem:s2], [sflag:$0x1] =	stream.indirect_vreg.gather [hbm4b:s9+s3], $0x80, v4, vm0, $0xb8;
	[tilespmem:$0x8180] =	vst v63  }
0x1b8: {  	_ = 	snop  }
0x1b9: {  	[tilespmem:s20], [sflag:$0x1] =	stream.indirect_vreg.gather [hbm4b:s1+s3], $0x80, v3, vm0, $0xb8;
	[tilespmem:$0x8180] =	vst v63  }
0x1ba: {  	_ = 	snop  }
0x1bb: {  	[tilespmem:s22], [sflag:$0x1] =	stream.indirect_vreg.gather [hbm4b:s7+s3], $0x80, v3, vm0, $0xb8;
	[tilespmem:$0x8180] =	vst v63  }
0x1bc: {  	_ = 	snop  }
0x1bd: {  	[tilespmem:s23], [sflag:$0x1] =	stream.indirect_vreg.gather [hbm4b:s8+s3], $0x80, v3, vm0, $0xb8;
	[tilespmem:$0x8180] =	vst v63  }
0x1be: {  	_ = 	snop  }
0x1bf: {  	[tilespmem:s24], [sflag:$0x1] =	stream.indirect_vreg.gather [hbm4b:s9+s3], $0x80, v3, vm0, $0xb8;
	[tilespmem:$0x8180] =	vst v63  }
0x1c0: {  	_ =	swait.ge [sflag:s25], $0x8000  }
0x1c1: {  	[sflag:s25] =	ssyncset.done $0x0  }
.Ltmp4:
0x1c2: {  	[sflag:s25] =	ssyncadd.s32 $0xFFFF8000;
	(pc) =	sbr.rel .LBB2_5-.Ltmp4, $4  }
0x1c3: {  	[hbm4b:s17+s3] =	stream.linear.scatter [tilespmem:s21], [sflag:$0x2], $0x8000, $0x38;
	[tilespmem:$0x8180] =	vst v63  }
0x1c4: {  	_ =	swait.ge [sflag:s19], $0x8000  }
0x1c5: {  	[sflag:s19] =	ssyncset.done $0x0  }
0x1c6: {  	[sflag:s19] =	ssyncadd.s32 $0xFFFF8000  }
.LBB2_6:
0x1c7: {  	_ =	sfence.sel $0x180000  }
0x1c8: {  	[bflag:$0x0] =	sbarrier.arrive $0xFFFF  }
0x1c9: {  	_ =	strace $0x90000047  }
0x1ca: {  	s0 =	stileid.u32;
	[bflag:$0x2] =	sbarrier.arrive $0xFFFF  }
0x1cb: {  	p0 =	sne.s32 s0, $0x0;
	s0 =	rddreg [dreg:$0x3]  }
0x1cc: {  	s0 =	sadd.s32 @!p0 $0x100000, s0  }
0x1cd: {  	[sflag:s0] =	ssyncadd.tile.s32 @!p0 $0x1;
	_ =	shalt  }
.Lfunc_end2:
_tile_overlayer_lowered:
.L_overlay_start_2:
0x1ce: {  	(tag) =	ssettag $0x2  }
0x1cf: {  	s0 =	rddreg [dreg:$0x0];
	s2 =	stileid.u32  }
0x1d0: {  	s1 =	rddreg [dreg:$0x1];
	p0 =	sne.s32 s2, $0x0  }
0x1d1: {  	s3 =	rddreg [dreg:$0x2];
	[bflag:$0x3] =	sbarrier.arrive $0xFFFF;
	s2 =	simm.s32 @!p0 $0x1C02  }
0x1d2: {  	[timem:s3], [sflag:s2] =	dma.local @!p0 [hbm:s0], s1  }
0x1d3: {  	s0 =	simm.s32 @!p0 $0x2  }
0x1d4: {  	_ =	swait.ge @!p0 [sflag:s0], s1  }
0x1d5: {  	s1 =	ssub.s32 @!p0 $0x0, s1;
	[sflag:s0] =	ssyncset.done @!p0 $0x0  }
0x1d6: {  	[sflag:s0] =	ssyncadd.s32 @!p0 s1  }
0x1d7: {  	[bflag:$0x3] =	sbarrier.arrive $0xFFFF  }
0x1d8: {  	_ =	shalt  }

// kernel: kernel.9.cloned.1.call-start
scs
__scs_entry_jumppad:
0x0: {  	(pc) =	sbr.rel $0x88, $3  }
0x1: {  	(tag) =	ssettag $0x0;
	lr =	simm.s32 $0x1  }
0x2: {  	[smem:$0x3F9C] =	sst lr;
	_ =	strace $0xD0000000  }
0x3: {  	_ = 	snop  }
0x4: {  	_ = 	snop  }
0x5: {  	_ = 	snop  }
0x6: {  	_ = 	snop  }
0x7: {  	_ = 	snop  }
__scs_overlays_trampoline_lowered:
0x8: {  	[smem:$0x3FAB] =	sst s0  }
0x9: {  	[smem:$0x3FAC] =	sst s1  }
0xa: {  	[smem:$0x3FAD] =	sst s2  }
0xb: {  	[smem:$0x3FAE] =	sst s3  }
0xc: {  	[smem:$0x3FAF] =	sst s4  }
0xd: {  	[smem:$0x3FB0] =	sst s5  }
0xe: {  	[smem:$0x3FB1] =	sst s6  }
0xf: {  	[smem:$0x3FB2] =	sst s7  }
0x10: {  	[smem:$0x3FB3] =	sst s8  }
0x11: {  	[smem:$0x3FB4] =	sst s9;
	s0 =	simm.s32 @!p0 $0x0  }
0x12: {  	s1 =	sld [smem:$0x3F9A];
	s0 =	simm.s32 @p0 $0x1  }
0x13: {  	[smem:$0x3FB5] =	sst s0;
	s0 =	simm.s32 @!p1 $0x0  }
0x14: {  	s2 =	sld [smem:$0x3F99];
	s0 =	simm.s32 @p1 $0x1  }
0x15: {  	[smem:$0x3FB6] =	sst s0;
	s0 =	simm.s32 @!p2 $0x0  }
0x16: {  	s3 =	sld [smem:$0x3FDB];
	s0 =	simm.s32 @p2 $0x1  }
0x17: {  	s4 =	simm.s32 $0x1BF5;
	[smem:$0x3FB8] =	sst s0  }
0x18: {  	s0 =	sld [smem:$0x3F9B];
	_ =	swait.ge [sflag:s4], $0x0  }
0x19: {  	s7 =	sld [smem:$0x3F9C]  }
0x1a: {  	s8 =	sadd.s32 $0xFFFFE003, lr  }
0x1b: {  	s9 =	sadd.s32 $0xFFFFFEF7, lr;
	s5 =	simm.s32 $0xFFFFFFFF;
	p2 =	slt.u32 s8, $0xFFFFF086  }
0x1c: {  	p1 =	slt.u32 s9, $0xF7A;
	s5 =	simm.s32 @!p2 $0x0  }
0x1d: {  	s5 =	simm.s32 @p1 $0x1;
	p0 =	seq.s32 s7, s2  }
0x1e: {  	s7 =	smul.u32 @!p0 $0xF7A, s2;
	p2 =	seq.s32 @!p0 s5, $0x0  }
0x1f: {  	s9 =	smul.u32 $0xF7A, s1;
	s8 =	simm.s32 @!p0 $0x1BF5;
	p2 =	por !p2, p0  }
0x20: {  	[sflag:s8] =	ssyncset.s32 @!p0 $0xFFFFF086;
	s6 =	sadd.s32 @!p0 s3, s7;
	s7 =	simm.s32 @!p0 $0x108  }
0x21: {  	s3 =	sadd.s32 s3, s9;
	s6 =	sadd.s32 @!p0 $0x88, s6;
	s7 =	simm.s32 @p2 $0x1082  }
0x22: {  	[simem:s7], [sflag:s8] =	dma.local @!p0 [hbm:s6], $0xF7A  }
0x23: {  	s9 =	sor.u32 $0xD0000000, s2;
	s6 =	simm.s32 $0x108;
	_ =	swait.ge @!p0 [sflag:s8], $0x0  }
0x24: {  	s3 =	sadd.s32 $0x88, s3;
	s6 =	simm.s32 @!p1 $0x1082;
	[sflag:s4] =	ssyncset.s32 $0xFFFFF086  }
0x25: {  	[simem:s6], [sflag:s4] =	dma.local [hbm:s3], $0xF7A  }
0x26: {  	[smem:$0x3F9C] =	sst s1;
	(tag) =	ssettag s2;
	_ =	strace s9  }
0x27: {  	s1 =	sld [smem:$0x3FAC]  }
0x28: {  	s2 =	sld [smem:$0x3FAD]  }
0x29: {  	s4 =	sld [smem:$0x3FAF]  }
0x2a: {  	p0 =	seq.s32 s5, $0x0;
	s5 =	sld [smem:$0x3FB0]  }
0x2b: {  	s6 =	sld [smem:$0x3FB1]  }
0x2c: {  	s7 =	sld [smem:$0x3FB2]  }
0x2d: {  	s3 =	simm.s32 $0x108;
	s8 =	sld [smem:$0x3FB3]  }
0x2e: {  	s3 =	simm.s32 @!p0 $0x1082;
	s9 =	sld [smem:$0x3FB4]  }
0x2f: {  	lr =	sadd.s32 s0, s3;
	s0 =	sld [smem:$0x3FAB]  }
0x30: {  	s3 =	sld [smem:$0x3FAE]  }
0x31: {  	[smem:$0x3FB7] =	sst s10  }
0x32: {  	s10 =	sld [smem:$0x3FB5];
	_ =	sdelay $0x3  }
0x33: {  	p0 =	seq.s32 s10, $0x1;
	s10 =	sld [smem:$0x3FB7];
	_ =	sdelay $0x3  }
0x34: {  	[smem:$0x3FB7] =	sst s10  }
0x35: {  	s10 =	sld [smem:$0x3FB6];
	_ =	sdelay $0x3  }
0x36: {  	p1 =	seq.s32 s10, $0x1;
	s10 =	sld [smem:$0x3FB7];
	_ =	sdelay $0x3  }
0x37: {  	[smem:$0x3FB7] =	sst s10  }
0x38: {  	s10 =	sld [smem:$0x3FB8]  }
0x39: {  	_ = 	snop;
	(pc) =	sbr.ind lr, $3  }
0x3a: {  	_ = 	snop  }
0x3b: {  	_ = 	snop  }
0x3c: {  	p2 =	seq.s32 s10, $0x1;
	s10 =	sld [smem:$0x3FB7]  }
0x3d: {  	_ =	shalt  }
0x3e: {  	_ =	shalt  }
0x3f: {  	_ =	shalt  }
0x40: {  	_ =	shalt  }
0x41: {  	_ =	shalt  }
0x42: {  	_ =	shalt  }
0x43: {  	_ =	shalt  }
0x44: {  	_ =	shalt  }
0x45: {  	_ =	shalt  }
0x46: {  	_ =	shalt  }
0x47: {  	_ =	shalt  }
0x48: {  	_ =	shalt  }
0x49: {  	_ =	shalt  }
0x4a: {  	_ =	shalt  }
0x4b: {  	_ =	shalt  }
0x4c: {  	_ =	shalt  }
0x4d: {  	_ =	shalt  }
0x4e: {  	_ =	shalt  }
0x4f: {  	_ =	shalt  }
0x50: {  	_ =	shalt  }
0x51: {  	_ =	shalt  }
0x52: {  	_ =	shalt  }
0x53: {  	_ =	shalt  }
0x54: {  	_ =	shalt  }
0x55: {  	_ =	shalt  }
0x56: {  	_ =	shalt  }
0x57: {  	_ =	shalt  }
0x58: {  	_ =	shalt  }
0x59: {  	_ =	shalt  }
0x5a: {  	_ =	shalt  }
0x5b: {  	_ =	shalt  }
0x5c: {  	_ =	shalt  }
0x5d: {  	_ =	shalt  }
0x5e: {  	_ =	shalt  }
0x5f: {  	_ =	shalt  }
0x60: {  	_ =	shalt  }
0x61: {  	_ =	shalt  }
0x62: {  	_ =	shalt  }
0x63: {  	_ =	shalt  }
0x64: {  	_ =	shalt  }
0x65: {  	_ =	shalt  }
0x66: {  	_ =	shalt  }
0x67: {  	_ =	shalt  }
0x68: {  	_ =	shalt  }
0x69: {  	_ =	shalt  }
0x6a: {  	_ =	shalt  }
0x6b: {  	_ =	shalt  }
0x6c: {  	_ =	shalt  }
0x6d: {  	_ =	shalt  }
0x6e: {  	_ =	shalt  }
0x6f: {  	_ =	shalt  }
0x70: {  	_ =	shalt  }
0x71: {  	_ =	shalt  }
0x72: {  	_ =	shalt  }
0x73: {  	_ =	shalt  }
0x74: {  	_ =	shalt  }
0x75: {  	_ =	shalt  }
0x76: {  	_ =	shalt  }
0x77: {  	_ =	shalt  }
0x78: {  	_ =	shalt  }
0x79: {  	_ =	shalt  }
0x7a: {  	_ =	shalt  }
0x7b: {  	_ =	shalt  }
0x7c: {  	_ =	shalt  }
0x7d: {  	_ =	shalt  }
0x7e: {  	_ =	shalt  }
0x7f: {  	_ =	shalt  }
0x80: {  	_ =	shalt  }
0x81: {  	_ =	shalt  }
0x82: {  	_ =	shalt  }
0x83: {  	_ =	shalt  }
0x84: {  	_ =	shalt  }
0x85: {  	_ =	shalt  }
0x86: {  	_ =	shalt  }
0x87: {  	_ =	shalt  }
.Lfunc_end0:
.L_simem_size_0:
called_computation.1_lowered:
.L_overlay_start_0:
0x88: {  	s2 =	sld [smem:$0x3FD9]  }
0x89: {  	s3 =	sld [smem:$0x3FFE];
	_ =	sdelay $0x1  }
0x8a: {  	s1 =	srdreg.scid  }
0x8b: {  	s0 =	sand.u32 $0x1, s1  }
0x8c: {  	s17 =	sshll.u32 s0, $0xA;
	s2 =	sadd.s32 s3, s2  }
0x8d: {  	s2 =	sadd.s32 s2, s17  }
0x8e: {  	[smem:$0x3FC3] =	sst s2  }
0x8f: {  	_ = 	snop  }
0x90: {  	s2 =	sld [smem:$0x3FD0];
	(tm) =	ssettm $0x1  }
0x91: {  	s18 =	sld [smem:$0x3FFB];
	_ =	sdelay $0x3  }
0x92: {  	_ =	strace s18  }
0x93: {  	s3 =	sld [smem:$0x3FFC];
	_ =	sdelay $0x3  }
0x94: {  	_ =	strace s3  }
0x95: {  	s3 =	sld [smem:$0x3FFD];
	_ =	sdelay $0x3  }
0x96: {  	_ =	strace s3  }
0x97: {  	_ =	strace $0x8FFFFFFF  }
0x98: {  	s19 =	sld [smem:$0x3FDB];
	_ =	sdelay $0x1  }
0x99: {  	s4 =	simm.s32 $_scs_section_size  }
0x9a: {  	s5 =	simm.s32 $_size__tile_overlayer_lowered;
	s6 =	simm.s32 $_tile_overlayer_lowered  }
0x9b: {  	s22 =	simm.s32 $0x1BFF;
	s21 =	sshll.u32 s6, $0x1;
	s3 =	sadd.s32 s4, s19  }
0x9c: {  	s7 =	simm.s32 $0x0;
	s20 =	sshll.u32 s5, $0x1;
	s5 =	sadd.s32 s21, s3  }
0x9d: {  	[timem:s7], [sflag:s22] =	dma.local [hbm:s5], s20  }
0x9e: {  	_ =	swait.ge [sflag:s22], s20  }
0x9f: {  	s4 =	ssub.s32 $0x0, s20;
	[sflag:s22] =	ssyncset.done $0x0  }
0xa0: {  	[sflag:s22] =	ssyncadd.s32 s4;
	_ =	sdelay $0x1  }
0xa1: {  	s23 =	simm.s32 $0x1B8B  }
0xa2: {  	_ =	swait.ge [sflag:s23], $0x1  }
0xa3: {  	[sflag:s23] =	ssyncset.done $0x0  }
0xa4: {  	s25 =	simm.s32 $0x1B8E;
	s24 =	sld [smem:$0x3FFE];
	[sflag:s23] =	ssyncadd.s32 $0xFFFFFFFF  }
0xa5: {  	s26 =	simm.s32 $execute0_lowered;
	[smem:$0x3FD2] =	sst s25  }
0xa6: {  	s5 =	sshll.u32 s26, $0x1;
	_ =	strace $0x80000049;
	[dreg:$0x1] =	wrdreg $0xFFFFFFFF  }
0xa7: {  	s28 =	simm.s32 $_size_execute0_lowered;
	s3 =	sadd.s32 s3, s5;
	[dreg:$0x0] =	wrdreg $0x0  }
0xa8: {  	s5 =	sshll.u32 s28, $0x1;
	[dreg:$0x2] =	wrdreg s3  }
0xa9: {  	[dreg:$0x3] =	wrdreg s5  }
0xaa: {  	[dreg:$0x4] =	wrdreg $0xC0  }
0xab: {  	_ =	task [dreg:s7], $0x5FFFF  }
0xac: {  	[dreg:$0x1] =	wrdreg $0xFFFFFFFF  }
0xad: {  	[dreg:$0x0] =	wrdreg $0x60  }
0xae: {  	[dreg:$0x2] =	wrdreg s24  }
0xaf: {  	[dreg:$0x3] =	wrdreg s2  }
0xb0: {  	[dreg:$0x4] =	wrdreg $0x9  }
0xb1: {  	_ =	task.clear_ibuf [dreg:s7], $0x5FFFF;
	_ =	strace $0x90000049  }
0xb2: {  	s29 =	simm.s32 $0x9;
	_ =	strace $0x8000004B  }
0xb3: {  	_ =	swait.ge [sflag:s29], $0x1  }
0xb4: {  	[sflag:s29] =	ssyncadd.s32 $0xFFFFFFFF  }
0xb5: {  	_ =	strace $0x9000004B  }
0xb6: {  	_ =	sfence  }
0xb7: {  	s30 =	sld [smem:$0x0];
	_ =	sdelay $0x2  }
0xb8: {  	s31 =	sshll.u32 s1, $0xD;
	s1 =	sshrl.u32 s1, $0x2  }
0xb9: {  	s3 =	sand.u32 $0x4000, s31;
	s1 =	sadd.s32 s1, s30  }
0xba: {  	s0 =	sor.u32 s3, s0;
	s1 =	sshll.u32 s1, $0x11  }
0xbb: {  	s0 =	sor.u32 s1, s0  }
0xbc: {  	s0 =	sadd.s32 $0x8F2B, s0  }
0xbd: {  	[sflag:s0] =	ssyncadd.remote.s32 $0x1  }
0xbe: {  	_ =	sfence.sel $0xFFFF  }
0xbf: {  	[dreg:$0x0] =	wrdreg $0xFFFFFFFF;
	(pc) =	sbr.abs _section_cstart, $3  }
0xc0: {  	[dreg:$0x1] =	wrdreg $0xFFFFFFFF  }
0xc1: {  	_ =	task.clear_ibuf [dreg:s7], $0x2FFFF;
	_ =	strace $0x9FFFFFFF  }
0xc2: {  	(tm) =	ssettm $0x7FFFFFFF  }
0xc3: {  	_ =	shalt  }
tec
execute0_lowered:
.L_overlay_start_1:
0x0: {  	(tag) =	ssettag $0x1  }
0x1: {  	s1 =	srdreg.scid  }
0x2: {  	s0 =	stileid.u32;
	s6 =	rddreg [dreg:$0x0]  }
0x3: {  	s4 =	rddreg [dreg:$0x1];
	s18 =	simm.s32 $0x880;
	s19 =	simm.s32 $0x1080  }
0x4: {  	s20 =	simm.s32 $0x1880;
	s22 =	simm.s32 $0x2080;
	s23 =	simm.s32 $0x2880  }
0x5: {  	s7 =	simm.s32 $0x3080;
	s24 =	simm.s32 $0x3880;
	s8 =	simm.s32 $0x4080  }
0x6: {  	s25 =	simm.s32 $0x4880;
	s26 =	simm.s32 $0x5080;
	s1 =	sand.u32 $0x1, s1  }
0x7: {  	s9 =	simm.s32 $0x80;
	s2 =	sshll.u32 s0, $0x7;
	s3 =	sshll.u32 s1, $0x6  }
0x8: {  	s11 =	simm.s32 $0x6080;
	s3 =	sor.u32 s3, s2;
	s2 =	simm.s32 $0x0  }
0x9: {  	s12 =	simm.s32 $0x6880;
	s13 =	simm.s32 $0x7080;
	[smem:$0x7FF] =	sst s2  }
0xa: {  	s14 =	simm.s32 $0x7880;
	_ =	strace $0x8000004A;
	[dreg:$0x5] =	wrdreg s18  }
0xb: {  	s15 =	simm.s32 $0x8080;
	s16 =	simm.s32 $0x8880;
	[dreg:$0x6] =	wrdreg s19  }
0xc: {  	s17 =	simm.s32 $0x9080;
	s28 =	simm.s32 $0xE080;
	[dreg:$0x7] =	wrdreg s20  }
0xd: {  	s29 =	simm.s32 $0xE880;
	s30 =	simm.s32 $0xF080;
	[dreg:$0x8] =	wrdreg s22  }
0xe: {  	s31 =	simm.s32 $0xF880;
	s1 =	ssub.s32 $0x2, s1;
	[dreg:$0x9] =	wrdreg s23  }
0xf: {  	s21 =	sshrl.u32 s1, $0x1;
	s5 =	sshrl.u32 s3, $0x3;
	[dreg:$0xa] =	wrdreg s7  }
0x10: {  	s3 =	sshll.u32 s3, $0x7;
	s1 =	ssub.s32 s1, s21;
	[dreg:$0xb] =	wrdreg s24  }
0x11: {  	s21 =	simm.s32 $0xB080;
	s5 =	sadd.s32 s5, s6;
	[dreg:$0xc] =	wrdreg s8  }
0x12: {  	s3 =	sadd.s32 s4, s3;
	s4 =	sadd.s32 $0x101300, s6;
	[dreg:$0xd] =	wrdreg s25  }
0x13: {  	s7 =	smax.u32 s1, $0x1;
	s8 =	simm.s32 $0x2;
	[dreg:$0xe] =	wrdreg s26  }
0x14: {  	s18 =	simm.s32 $0x9880;
	s19 =	simm.s32 $0xA080;
	s20 =	simm.s32 $0xA880  }
0x15: {  	s22 =	simm.s32 $0xB880;
	s23 =	simm.s32 $0xC080;
	s24 =	simm.s32 $0xC880  }
0x16: {  	v2 =	vlaneseq.u32;
	s25 =	simm.s32 $0xD080;
	s26 =	simm.s32 $0xD880;
	s1 =	simm.s32 $0x1  }
0x17: {  	vm0 =	vmmov $0xffff;
	v1 =	vshrl.u32 v2, $0x3;
	s5 =	sadd.s32 $0x101000, s5;
	[dreg:$0x4] =	wrdreg s3;
	s3 =	sadd.s32 $0x101200, s6  }
0x18: {  	v0 =	vand.u32 $0x7, v2;
	v2 =	vor.u32 $0x8, v2;
	v1 =	vmul.u32 $0x8, v1;
	[dreg:$0x3] =	wrdreg s5;
	s5 =	sadd.s32 $0x101400, s6;
	s6 =	sadd.s32 $0x101500, s6  }
.LBB2_1:
0x19: {  	s0 =	rddreg [dreg:$0x3]  }
0x1a: {  	[tilespmem:s2], [sflag:$0x2] =	stream.linear.gather [hbm4b:s0+s2], $0x40, $0x38;
	[tilespmem:$0x10080] =	vst v63  }
0x1b: {  	_ =	swait.ge [sflag:s8], $0x40  }
0x1c: {  	[sflag:s8] =	ssyncset.done $0x0  }
0x1d: {  	[sflag:s8] =	ssyncadd.s32 $0xFFFFFFC0  }
0x1e: {  	v3 =	vld [tilespmem:$0x0];
	_ =	sdelay $0x4  }
0x1f: {  	v4 =	vshll.u32 v3, $0x3  }
0x20: {  	v3 =	vand.u32 $0x7, v3;
	v4 =	vand.u32 $0xFFFFFFC0, v4  }
0x21: {  	v3 =	vor.u32 v3, v4  }
0x22: {  	v4 =	vperm.xlane v3, v0;
	_ =	sdelay $0x1  }
0x23: {  	v4 =	vadd.s32 v1, v4;
	_ =	sdelay $0x4  }
0x24: {  	[tilespmem:s9], [sflag:$0x1] =	stream.indirect_vreg.gather [hbm4b:s3+s2], $0x80, v4, vm0, $0xb8;
	[tilespmem:$0x10080] =	vst v63  }
0x25: {  	s0 =	rddreg [dreg:$0x5];
	v3 =	vperm.xlane v3, v2  }
0x26: {  	[tilespmem:s0], [sflag:$0x1] =	stream.indirect_vreg.gather [hbm4b:s4+s2], $0x80, v4, vm0, $0xb8;
	[tilespmem:$0x10080] =	vst v63  }
0x27: {  	s10 =	rddreg [dreg:$0x6];
	v3 =	vadd.s32 v1, v3  }
0x28: {  	[tilespmem:s10], [sflag:$0x1] =	stream.indirect_vreg.gather [hbm4b:s5+s2], $0x80, v4, vm0, $0xb8;
	[tilespmem:$0x10080] =	vst v63  }
0x29: {  	s0 =	rddreg [dreg:$0x7]  }
0x2a: {  	[tilespmem:s0], [sflag:$0x1] =	stream.indirect_vreg.gather [hbm4b:s6+s2], $0x80, v4, vm0, $0xb8;
	[tilespmem:$0x10080] =	vst v63  }
0x2b: {  	s10 =	rddreg [dreg:$0x8]  }
0x2c: {  	[tilespmem:s10], [sflag:$0x1] =	stream.indirect_vreg.gather [hbm4b:s3+s2], $0x80, v3, vm0, $0xb8;
	[tilespmem:$0x10080] =	vst v63  }
0x2d: {  	s0 =	rddreg [dreg:$0x9]  }
0x2e: {  	[tilespmem:s0], [sflag:$0x1] =	stream.indirect_vreg.gather [hbm4b:s4+s2], $0x80, v3, vm0, $0xb8;
	[tilespmem:$0x10080] =	vst v63  }
0x2f: {  	s10 =	rddreg [dreg:$0xa]  }
0x30: {  	[tilespmem:s10], [sflag:$0x1] =	stream.indirect_vreg.gather [hbm4b:s5+s2], $0x80, v3, vm0, $0xb8;
	[tilespmem:$0x10080] =	vst v63  }
0x31: {  	s0 =	rddreg [dreg:$0xb]  }
0x32: {  	[tilespmem:s0], [sflag:$0x1] =	stream.indirect_vreg.gather [hbm4b:s6+s2], $0x80, v3, vm0, $0xb8;
	[tilespmem:$0x10080] =	vst v63  }
0x33: {  	v3 =	vld [tilespmem:$0x10];
	_ =	sdelay $0x4  }
0x34: {  	v61 =	vshll.u32 v3, $0x3  }
0x35: {  	v3 =	vand.u32 $0x7, v3;
	v4 =	vand.u32 $0xFFFFFFC0, v61  }
0x36: {  	v3 =	vor.u32 v3, v4  }
0x37: {  	v4 =	vperm.xlane v3, v0;
	_ =	sdelay $0x1  }
0x38: {  	v4 =	vadd.s32 v1, v4;
	_ =	sdelay $0x3  }
0x39: {  	s0 =	rddreg [dreg:$0xc]  }
0x3a: {  	[tilespmem:s0], [sflag:$0x1] =	stream.indirect_vreg.gather [hbm4b:s3+s2], $0x80, v4, vm0, $0xb8;
	[tilespmem:$0x10080] =	vst v63  }
0x3b: {  	s10 =	rddreg [dreg:$0xd];
	v3 =	vperm.xlane v3, v2  }
0x3c: {  	[tilespmem:s10], [sflag:$0x1] =	stream.indirect_vreg.gather [hbm4b:s4+s2], $0x80, v4, vm0, $0xb8;
	[tilespmem:$0x10080] =	vst v63  }
0x3d: {  	v3 =	vadd.s32 v1, v3;
	s0 =	rddreg [dreg:$0xe]  }
0x3e: {  	[tilespmem:s0], [sflag:$0x1] =	stream.indirect_vreg.gather [hbm4b:s5+s2], $0x80, v4, vm0, $0xb8;
	[tilespmem:$0x10080] =	vst v63  }
0x3f: {  	s10 =	simm.s32 $0x5880  }
0x40: {  	[tilespmem:s10], [sflag:$0x1] =	stream.indirect_vreg.gather [hbm4b:s6+s2], $0x80, v4, vm0, $0xb8;
	[tilespmem:$0x10080] =	vst v63  }
0x41: {  	_ = 	snop  }
0x42: {  	[tilespmem:s11], [sflag:$0x1] =	stream.indirect_vreg.gather [hbm4b:s3+s2], $0x80, v3, vm0, $0xb8;
	[tilespmem:$0x10080] =	vst v63  }
0x43: {  	_ = 	snop  }
0x44: {  	[tilespmem:s12], [sflag:$0x1] =	stream.indirect_vreg.gather [hbm4b:s4+s2], $0x80, v3, vm0, $0xb8;
	[tilespmem:$0x10080] =	vst v63  }
0x45: {  	_ = 	snop  }
0x46: {  	[tilespmem:s13], [sflag:$0x1] =	stream.indirect_vreg.gather [hbm4b:s5+s2], $0x80, v3, vm0, $0xb8;
	[tilespmem:$0x10080] =	vst v63  }
0x47: {  	_ = 	snop  }
0x48: {  	[tilespmem:s14], [sflag:$0x1] =	stream.indirect_vreg.gather [hbm4b:s6+s2], $0x80, v3, vm0, $0xb8;
	[tilespmem:$0x10080] =	vst v63  }
0x49: {  	v3 =	vld [tilespmem:$0x20];
	_ =	sdelay $0x4  }
0x4a: {  	v62 =	vshll.u32 v3, $0x3  }
0x4b: {  	v3 =	vand.u32 $0x7, v3;
	v4 =	vand.u32 $0xFFFFFFC0, v62  }
0x4c: {  	v3 =	vor.u32 v3, v4  }
0x4d: {  	v4 =	vperm.xlane v3, v0;
	_ =	sdelay $0x1  }
0x4e: {  	v4 =	vadd.s32 v1, v4;
	_ =	sdelay $0x4  }
0x4f: {  	[tilespmem:s15], [sflag:$0x1] =	stream.indirect_vreg.gather [hbm4b:s3+s2], $0x80, v4, vm0, $0xb8;
	[tilespmem:$0x10080] =	vst v63  }
0x50: {  	v3 =	vperm.xlane v3, v2  }
0x51: {  	[tilespmem:s16], [sflag:$0x1] =	stream.indirect_vreg.gather [hbm4b:s4+s2], $0x80, v4, vm0, $0xb8;
	[tilespmem:$0x10080] =	vst v63  }
0x52: {  	v3 =	vadd.s32 v1, v3  }
0x53: {  	[tilespmem:s17], [sflag:$0x1] =	stream.indirect_vreg.gather [hbm4b:s5+s2], $0x80, v4, vm0, $0xb8;
	[tilespmem:$0x10080] =	vst v63  }
0x54: {  	_ = 	snop  }
0x55: {  	[tilespmem:s18], [sflag:$0x1] =	stream.indirect_vreg.gather [hbm4b:s6+s2], $0x80, v4, vm0, $0xb8;
	[tilespmem:$0x10080] =	vst v63  }
0x56: {  	_ = 	snop  }
0x57: {  	[tilespmem:s19], [sflag:$0x1] =	stream.indirect_vreg.gather [hbm4b:s3+s2], $0x80, v3, vm0, $0xb8;
	[tilespmem:$0x10080] =	vst v63  }
0x58: {  	_ = 	snop  }
0x59: {  	[tilespmem:s20], [sflag:$0x1] =	stream.indirect_vreg.gather [hbm4b:s4+s2], $0x80, v3, vm0, $0xb8;
	[tilespmem:$0x10080] =	vst v63  }
0x5a: {  	_ = 	snop  }
0x5b: {  	[tilespmem:s21], [sflag:$0x1] =	stream.indirect_vreg.gather [hbm4b:s5+s2], $0x80, v3, vm0, $0xb8;
	[tilespmem:$0x10080] =	vst v63  }
0x5c: {  	_ = 	snop  }
0x5d: {  	[tilespmem:s22], [sflag:$0x1] =	stream.indirect_vreg.gather [hbm4b:s6+s2], $0x80, v3, vm0, $0xb8;
	[tilespmem:$0x10080] =	vst v63  }
0x5e: {  	v3 =	vld [tilespmem:$0x30];
	_ =	sdelay $0x4  }
0x5f: {  	v63 =	vshll.u32 v3, $0x3  }
0x60: {  	v3 =	vand.u32 $0x7, v3;
	v4 =	vand.u32 $0xFFFFFFC0, v63  }
0x61: {  	v3 =	vor.u32 v3, v4  }
0x62: {  	v4 =	vperm.xlane v3, v0;
	_ =	sdelay $0x1  }
0x63: {  	v4 =	vadd.s32 v1, v4;
	_ =	sdelay $0x4  }
0x64: {  	[tilespmem:s23], [sflag:$0x1] =	stream.indirect_vreg.gather [hbm4b:s3+s2], $0x80, v4, vm0, $0xb8;
	[tilespmem:$0x10080] =	vst v63  }
0x65: {  	v3 =	vperm.xlane v3, v2  }
0x66: {  	[tilespmem:s24], [sflag:$0x1] =	stream.indirect_vreg.gather [hbm4b:s4+s2], $0x80, v4, vm0, $0xb8;
	[tilespmem:$0x10080] =	vst v63  }
0x67: {  	v3 =	vadd.s32 v1, v3  }
0x68: {  	[tilespmem:s25], [sflag:$0x1] =	stream.indirect_vreg.gather [hbm4b:s5+s2], $0x80, v4, vm0, $0xb8;
	[tilespmem:$0x10080] =	vst v63  }
0x69: {  	_ = 	snop  }
0x6a: {  	[tilespmem:s26], [sflag:$0x1] =	stream.indirect_vreg.gather [hbm4b:s6+s2], $0x80, v4, vm0, $0xb8;
	[tilespmem:$0x10080] =	vst v63  }
0x6b: {  	_ = 	snop  }
0x6c: {  	[tilespmem:s28], [sflag:$0x1] =	stream.indirect_vreg.gather [hbm4b:s3+s2], $0x80, v3, vm0, $0xb8;
	[tilespmem:$0x10080] =	vst v63  }
0x6d: {  	_ = 	snop  }
0x6e: {  	[tilespmem:s29], [sflag:$0x1] =	stream.indirect_vreg.gather [hbm4b:s4+s2], $0x80, v3, vm0, $0xb8;
	[tilespmem:$0x10080] =	vst v63  }
0x6f: {  	_ = 	snop  }
0x70: {  	[tilespmem:s30], [sflag:$0x1] =	stream.indirect_vreg.gather [hbm4b:s5+s2], $0x80, v3, vm0, $0xb8;
	[tilespmem:$0x10080] =	vst v63  }
0x71: {  	_ = 	snop  }
0x72: {  	[tilespmem:s31], [sflag:$0x1] =	stream.indirect_vreg.gather [hbm4b:s6+s2], $0x80, v3, vm0, $0xb8;
	[tilespmem:$0x10080] =	vst v63  }
0x73: {  	_ =	swait.ge [sflag:s1], $0x10000  }
0x74: {  	p0 =	sne.s32 s7, $0x1;
	[sflag:s1] =	ssyncset.done $0x0  }
.Ltmp0:
0x75: {  	s10 =	rddreg [dreg:$0x4];
	[sflag:s1] =	ssyncadd.s32 $0xFFFF0000;
	(pc) =	sbr.rel @p0 .LBB2_1-.Ltmp0, $4  }
0x76: {  	[hbm4b:s10+s2] =	stream.linear.scatter [tilespmem:s9], [sflag:$0x2], $0x10000, $0x38;
	[tilespmem:$0x10080] =	vst v63  }
0x77: {  	_ =	swait.ge [sflag:s8], $0x10000  }
0x78: {  	[sflag:s8] =	ssyncset.done $0x0  }
0x79: {  	s7 =	sadd.s32 $0xFFFFFFFF, s7;
	[sflag:s8] =	ssyncadd.s32 $0xFFFF0000  }
0x7a: {  	_ =	sfence.sel $0x180000  }
0x7b: {  	[bflag:$0x0] =	sbarrier.arrive $0xFFFF  }
0x7c: {  	_ =	strace $0x9000004A  }
0x7d: {  	s0 =	stileid.u32;
	[bflag:$0x2] =	sbarrier.arrive $0xFFFF  }
0x7e: {  	p0 =	sne.s32 s0, $0x0;
	s0 =	rddreg [dreg:$0x2]  }
0x7f: {  	s0 =	sadd.s32 @!p0 $0x100000, s0  }
0x80: {  	[sflag:s0] =	ssyncadd.tile.s32 @!p0 $0x1;
	_ =	shalt  }
.Lfunc_end2:
_tile_overlayer_lowered:
.L_overlay_start_2:
0x81: {  	(tag) =	ssettag $0x2  }
0x82: {  	s0 =	rddreg [dreg:$0x0];
	s2 =	stileid.u32  }
0x83: {  	s1 =	rddreg [dreg:$0x1];
	p0 =	sne.s32 s2, $0x0  }
0x84: {  	s3 =	rddreg [dreg:$0x2];
	[bflag:$0x3] =	sbarrier.arrive $0xFFFF;
	s2 =	simm.s32 @!p0 $0x1C02  }
0x85: {  	[timem:s3], [sflag:s2] =	dma.local @!p0 [hbm:s0], s1  }
0x86: {  	s0 =	simm.s32 @!p0 $0x2  }
0x87: {  	_ =	swait.ge @!p0 [sflag:s0], s1  }
0x88: {  	s1 =	ssub.s32 @!p0 $0x0, s1;
	[sflag:s0] =	ssyncset.done @!p0 $0x0  }
0x89: {  	[sflag:s0] =	ssyncadd.s32 @!p0 s1  }
0x8a: {  	[bflag:$0x3] =	sbarrier.arrive $0xFFFF  }
0x8b: {  	_ =	shalt  }

</sc_bundles>
